<compile_context>
chip_gen: v7x
topology: tpu7x:2x2x1
jax: 0.10.2.dev20260603
libtpu: 0.0.44.dev20260713+nightly
codegen_flags: <defaults>
</compile_context>

<pallas_src>
import functools

import jax
import jax.numpy as jnp
from jax import lax
from jax.experimental import pallas as pl
from jax.experimental.pallas import tpu as pltpu
from jax.experimental.pallas import tpu_sc as plsc

C = 19
K = 2048
NB = 2040
NW = 32
HW = 512 * 512
NCHUNK = 32
GROUPS = 64
HSIZE = 2 * C * K
MAGIC = 12582912.0
IBIAS = 1262485504


def _sc_body(lg, tg, out, hist, xbuf, tbuf, sem_x, sem_t):
    wid = lax.axis_index("s") * 2 + lax.axis_index("c")
    batch = wid // 8
    base = (wid % 8) * NCHUNK

    zeros = jnp.zeros((16,), jnp.float32)
    ones = jnp.ones((16,), jnp.float32)

    def zbody(i, carry):
        for j in range(8):
            hist[pl.ds(i * 128 + j * 16, 16)] = zeros
        return carry

    lax.fori_loop(0, HSIZE // 128, zbody, 0)

    def start_chunk(i, par):
        st = base + i
        h0 = (st // 4) * 8
        w0 = (st % 4) * 128
        cp_x = pltpu.make_async_copy(
            lg.at[batch, :, pl.ds(h0, 8), pl.ds(w0, 128)], xbuf.at[par],
            sem_x.at[par])
        cp_x.start()
        cp_t = pltpu.make_async_copy(
            tg.at[batch, pl.ds(h0, 8), pl.ds(w0, 128)], tbuf.at[par],
            sem_t.at[par])
        cp_t.start()

    def wait_chunk(par):
        pltpu.make_async_copy(
            lg.at[0, :, pl.ds(0, 8), pl.ds(0, 128)], xbuf.at[par],
            sem_x.at[par]).wait()
        pltpu.make_async_copy(
            tg.at[0, pl.ds(0, 8), pl.ds(0, 128)], tbuf.at[par],
            sem_t.at[par]).wait()

    iota16 = lax.iota(jnp.int32, 16)
    neg_ones = jnp.full((16,), -1.0, jnp.float32)

    def process_chunk(par):
        par_vec = jnp.full((16,), par, jnp.int32)

        def group_body(g, gcarry):
            r = g // 8
            w16 = (g % 8) * 16
            sl = pl.ds(w16, 16)
            t = tbuf[par, r, sl]
            exs = []
            parts = [zeros, zeros, zeros, zeros]
            for c in range(C):
                ex = jnp.exp(xbuf[par, c, r, sl])
                exs.append(ex)
                parts[c % 4] = parts[c % 4] + ex
            s = (parts[0] + parts[1]) + (parts[2] + parts[3])
            rinv_nb = float(NB) / s
            pix = iota16 + w16
            r_vec = jnp.full((16,), r, jnp.int32)
            xt = plsc.load_gather(xbuf, [par_vec, t, r_vec, pix])
            ext = jnp.exp(xt)
            qs = []
            for c in range(C):
                qf = exs[c] * rinv_nb + float(MAGIC + c * K)
                qs.append(plsc.bitcast(qf, jnp.int32) - IBIAS)
            tK = t * K
            qp = (plsc.bitcast(ext * rinv_nb + MAGIC, jnp.int32) - IBIAS) + tK
            qm = (plsc.bitcast((s - ext) * rinv_nb + MAGIC, jnp.int32) - IBIAS) + tK
            for c in range(C):
                plsc.addupdate_scatter(hist, [qs[c]], ones)
            plsc.addupdate_scatter(hist, [qp], neg_ones)
            plsc.addupdate_scatter(hist, [qm], ones)
            plsc.addupdate_scatter(hist, [qm + C * K], ones)
            return gcarry

        lax.fori_loop(0, GROUPS, group_body, 0)

    start_chunk(0, 0)

    def chunk_pair(i, carry):
        for par in range(2):
            cur = i * 2 + par
            wait_chunk(par)
            nxt = cur + 1

            @pl.when(nxt < NCHUNK)
            def _():
                start_chunk(nxt, 1 - par)

            process_chunk(par)
        return carry

    lax.fori_loop(0, NCHUNK // 2, chunk_pair, 0)
    pltpu.sync_copy(hist, out.at[wid])


_sc_hist = functools.partial(
    pl.kernel,
    out_type=jax.ShapeDtypeStruct((NW, HSIZE), jnp.float32),
    mesh=plsc.VectorSubcoreMesh(core_axis_name="c", subcore_axis_name="s"),
    compiler_params=pltpu.CompilerParams(
        needs_layout_passes=False, use_tc_tiling_on_sc=True),
    scratch_types=[
        pltpu.VMEM((HSIZE,), jnp.float32),
        pltpu.VMEM((2, C, 8, 128), jnp.float32),
        pltpu.VMEM((2, 8, 128), jnp.int32),
        pltpu.SemaphoreType.DMA((2,)),
        pltpu.SemaphoreType.DMA((2,)),
    ],
)(_sc_body)


def _tc_reduce_body(h_ref, out_ref):
    h = jnp.sum(h_ref[...], axis=0)
    mfg = h[C:, :]
    G = jnp.sum(mfg, axis=1, keepdims=True)
    KCH = 256

    def col_chunk(j, acc):
        qi = lax.broadcasted_iota(jnp.int32, (K, KCH), 0)
        ki = lax.broadcasted_iota(jnp.int32, (K, KCH), 1) + j * KCH
        tri = (qi >= ki).astype(jnp.float32)
        S = jnp.dot(h, tri, preferred_element_type=jnp.float32)
        R = S[:C, :]
        F = S[C:, :]
        denom = jnp.maximum(G + R - F, 1.0)
        J = 1.0 - (G - F) / denom
        colmask = (lax.broadcasted_iota(jnp.int32, (1, KCH), 1) + j * KCH) >= 1
        J = jnp.where(colmask, J, 0.0)
        return acc + jnp.sum(J, axis=1, keepdims=True)

    acc = lax.fori_loop(0, K // KCH, col_chunk, jnp.zeros((C, 1), jnp.float32))
    loss_c = acc[:, 0] / float(NB)
    pres = (G[:, 0] > 0.0).astype(jnp.float32)
    total = jnp.sum(loss_c * pres) / jnp.maximum(jnp.sum(pres), 1.0)
    out_ref[...] = total[None, None]


def _tc_reduce(hists):
    return pl.pallas_call(
        _tc_reduce_body,
        out_shape=jax.ShapeDtypeStruct((1, 1), jnp.float32),
    )(hists)


def kernel(logits, target):
    hists = _sc_hist(logits, target.astype(jnp.int32))
    loss = _tc_reduce(hists.reshape(NW, 2 * C, K))
    return loss[0, 0]

# --- scband reference (transcript-rebuilt; emitter-appended) ---
"""Pipeline reference for scband-lovasz-loss-32478542693068 (READ-ONLY COPY).

The authoritative reference and input builder live on the scoring server;
editing this copy changes nothing except your own understanding.
"""

import jax, jax.numpy as jnp
import numpy as np


def lovasz_grad(gt_sorted):
    gts = jnp.sum(gt_sorted)
    intersection = gts - jnp.cumsum(gt_sorted)
    union = gts + jnp.cumsum(1.0 - gt_sorted)
    jaccard = 1.0 - intersection / union
    jaccard = jnp.concatenate([jaccard[:1], jaccard[1:] - jaccard[:-1]])
    return jaccard


def setup_inputs(seed: int = 0):
    key = jax.random.key(seed)
    k1, k2 = jax.random.split(key)
    logits = jax.random.normal(k1, (4, 19, 512, 512), dtype=jnp.float32)
    target = jax.random.randint(k2, (4, 512, 512), 0, 19)
    return {"logits": logits, "target": target}


def reference(logits, target):
    B, C, H, W = logits.shape
    probas = jax.nn.softmax(logits, axis=1)
    probas_flat = jnp.transpose(probas, (0, 2, 3, 1)).reshape(-1, C)
    labels = target.reshape(-1)

    def per_class(c):
        fg = (labels == c).astype(jnp.float32)
        errors = jnp.abs(fg - probas_flat[:, c])
        perm = jnp.argsort(-errors)
        errors_sorted = jnp.take(errors, perm)
        fg_sorted = jnp.take(fg, perm)
        loss_c = jnp.dot(errors_sorted, lovasz_grad(fg_sorted))
        present = (jnp.sum(fg) > 0).astype(jnp.float32)
        return loss_c, present

    losses, present = jax.vmap(per_class)(jnp.arange(C))
    # mean over classes present in the target ('present' mode of lovasz_softmax)
    return jnp.sum(losses * present) / jnp.maximum(jnp.sum(present), 1.0)

if __name__ == "__main__":
    import jax
    _d = setup_inputs()
    print(jax.jit(kernel)(*tuple(_d.values())))

</pallas_src>

<mosaic_0001>
#map = affine_map<(d0, d1) -> (0, 0, 0, 0)>
#map1 = affine_map<(d0, d1) -> (0, 0, 0)>
#map2 = affine_map<(d0, d1) -> (0, 0)>
module attributes {stable_mosaic.version = 14 : i64} {
  func.func @_sc_body(%arg0: i32, %arg1: i32, %arg2: memref<4x19x512x512xf32, #tpu.memory_space<hbm>>, %arg3: memref<4x512x512xi32, #tpu.memory_space<hbm>>, %arg4: memref<32x77824xf32, #tpu.memory_space<hbm>>, %arg5: memref<77824xf32, #tpu.memory_space<vmem>>, %arg6: memref<2x19x8x128xf32, #tpu.memory_space<vmem>>, %arg7: memref<2x8x128xi32, #tpu.memory_space<vmem>>, %arg8: memref<2x!tpu.dma_semaphore, #tpu.memory_space<semaphore_mem>>, %arg9: memref<2x!tpu.dma_semaphore, #tpu.memory_space<semaphore_mem>>) attributes {dimension_semantics = [#tpu.dimension_semantics<core_parallel>, #tpu.dimension_semantics<subcore_parallel>], iteration_bounds = array<i64: 2, 16>, scalar_prefetch = 0 : i64, scratch_operands = 5 : i64, tpu.core_type = #tpu.core_type<sc_vector_subcore>, window_params = [{transform_indices = #map}, {transform_indices = #map1}, {transform_indices = #map2}]} {
    %mul3A = arith.constant 2 : i32
    %mul3A_0 = arith.muli %arg1, %mul3A : i32
    %add3A = arith.addi %mul3A_0, %arg0 : i32
    %jit3A = arith.constant 8 : i32
    %div3A = arith.divsi %add3A, %jit3A : i32
    %sign3A = arith.constant 0 : i32
    %sign3A_1 = arith.cmpi sgt, %add3A, %sign3A : i32
    %sign3A_2 = arith.extui %sign3A_1 : i1 to i32
    %sign3A_3 = arith.constant 0 : i32
    %sign3A_4 = arith.cmpi slt, %add3A, %sign3A_3 : i32
    %sign3A_5 = arith.extui %sign3A_4 : i1 to i32
    %sign3A_6 = arith.subi %sign3A_2, %sign3A_5 : i32
    %sign3A_7 = arith.constant 0 : i32
    %sign3A_8 = arith.cmpi sgt, %jit3A, %sign3A_7 : i32
    %sign3A_9 = arith.extui %sign3A_8 : i1 to i32
    %sign3A_10 = arith.constant 0 : i32
    %sign3A_11 = arith.cmpi slt, %jit3A, %sign3A_10 : i32
    %sign3A_12 = arith.extui %sign3A_11 : i1 to i32
    %sign3A_13 = arith.subi %sign3A_9, %sign3A_12 : i32
    %ne3A = arith.cmpi ne, %sign3A_6, %sign3A_13 : i32
    %rem3A = arith.remsi %add3A, %jit3A : i32
    %ne3A_14 = arith.constant 0 : i32
    %ne3A_15 = arith.cmpi ne, %rem3A, %ne3A_14 : i32
    %and3A = arith.andi %ne3A, %ne3A_15 : i1
    %sub3A = arith.constant 1 : i32
    %sub3A_16 = arith.subi %div3A, %sub3A : i32
    %select_n3A = arith.select %and3A, %sub3A_16, %div3A : i32
    %jit3A_17 = arith.constant 8 : i32
    %eq3A = arith.constant 0 : i32
    %eq3A_18 = arith.cmpi eq, %jit3A_17, %eq3A : i32
    %jit3A_19 = arith.constant 1 : i32
    %select_n3A_20 = arith.select %eq3A_18, %jit3A_19, %jit3A_17 : i32
    %rem3A_21 = arith.remsi %add3A, %select_n3A_20 : i32
    %ne3A_22 = arith.constant 0 : i32
    %ne3A_23 = arith.cmpi ne, %rem3A_21, %ne3A_22 : i32
    %lt3A = arith.constant 0 : i32
    %lt3A_24 = arith.cmpi slt, %rem3A_21, %lt3A : i32
    %lt3A_25 = arith.constant 0 : i32
    %lt3A_26 = arith.cmpi slt, %select_n3A_20, %lt3A_25 : i32
    %ne3A_27 = arith.xori %lt3A_24, %lt3A_26 : i1
    %and3A_28 = arith.andi %ne3A_27, %ne3A_23 : i1
    %add3A_29 = arith.addi %rem3A_21, %select_n3A_20 : i32
    %select_n3A_30 = arith.select %and3A_28, %add3A_29, %rem3A_21 : i32
    %mul3A_31 = arith.constant 32 : i32
    %mul3A_32 = arith.muli %select_n3A_30, %mul3A_31 : i32
    %broadcast_in_dim3A = arith.constant 0.000000e+00 : f32
    %broadcast_in_dim3A_33 = vector.broadcast %broadcast_in_dim3A : f32 to vector<16xf32>
    %broadcast_in_dim3A_34 = arith.constant 1.000000e+00 : f32
    %broadcast_in_dim3A_35 = vector.broadcast %broadcast_in_dim3A_34 : f32 to vector<16xf32>
    %scan3A = arith.constant 0 : i32
    %scan3A_36 = arith.constant 0 : i32
    %scan3A_37 = arith.constant 608 : i32
    %scan3A_38 = arith.addi %scan3A_36, %scan3A_37 : i32
    %scan3A_39 = arith.constant 1 : i32
    scf.for %scan3A_130 = %scan3A_36 to %scan3A_38 step %scan3A_39  : i32 {
      %mul3A_131 = arith.constant 128 : i32
      %mul3A_132 = arith.muli %scan3A_130, %mul3A_131 : i32
      %add3A_133 = arith.constant 0 : i32
      %add3A_134 = arith.addi %mul3A_132, %add3A_133 : i32
      %swap3A = arith.index_cast %add3A_134 : i32 to index
      %swap3A_135 = tpu.vector_load %arg5[%swap3A] {strides = array<i32>} : memref<77824xf32, #tpu.memory_space<vmem>>, vector<16xf32>,
      tpu.vector_store %arg5[%swap3A], %broadcast_in_dim3A_33 {strides = array<i32>} : memref<77824xf32, #tpu.memory_space<vmem>>, vector<16xf32>,
      %mul3A_136 = arith.constant 128 : i32
      %mul3A_137 = arith.muli %scan3A_130, %mul3A_136 : i32
      %add3A_138 = arith.constant 16 : i32
      %add3A_139 = arith.addi %mul3A_137, %add3A_138 : i32
      %swap3A_140 = arith.index_cast %add3A_139 : i32 to index
      %swap3A_141 = tpu.vector_load %arg5[%swap3A_140] {strides = array<i32>} : memref<77824xf32, #tpu.memory_space<vmem>>, vector<16xf32>,
      tpu.vector_store %arg5[%swap3A_140], %broadcast_in_dim3A_33 {strides = array<i32>} : memref<77824xf32, #tpu.memory_space<vmem>>, vector<16xf32>,
      %mul3A_142 = arith.constant 128 : i32
      %mul3A_143 = arith.muli %scan3A_130, %mul3A_142 : i32
      %add3A_144 = arith.constant 32 : i32
      %add3A_145 = arith.addi %mul3A_143, %add3A_144 : i32
      %swap3A_146 = arith.index_cast %add3A_145 : i32 to index
      %swap3A_147 = tpu.vector_load %arg5[%swap3A_146] {strides = array<i32>} : memref<77824xf32, #tpu.memory_space<vmem>>, vector<16xf32>,
      tpu.vector_store %arg5[%swap3A_146], %broadcast_in_dim3A_33 {strides = array<i32>} : memref<77824xf32, #tpu.memory_space<vmem>>, vector<16xf32>,
      %mul3A_148 = arith.constant 128 : i32
      %mul3A_149 = arith.muli %scan3A_130, %mul3A_148 : i32
      %add3A_150 = arith.constant 48 : i32
      %add3A_151 = arith.addi %mul3A_149, %add3A_150 : i32
      %swap3A_152 = arith.index_cast %add3A_151 : i32 to index
      %swap3A_153 = tpu.vector_load %arg5[%swap3A_152] {strides = array<i32>} : memref<77824xf32, #tpu.memory_space<vmem>>, vector<16xf32>,
      tpu.vector_store %arg5[%swap3A_152], %broadcast_in_dim3A_33 {strides = array<i32>} : memref<77824xf32, #tpu.memory_space<vmem>>, vector<16xf32>,
      %mul3A_154 = arith.constant 128 : i32
      %mul3A_155 = arith.muli %scan3A_130, %mul3A_154 : i32
      %add3A_156 = arith.constant 64 : i32
      %add3A_157 = arith.addi %mul3A_155, %add3A_156 : i32
      %swap3A_158 = arith.index_cast %add3A_157 : i32 to index
      %swap3A_159 = tpu.vector_load %arg5[%swap3A_158] {strides = array<i32>} : memref<77824xf32, #tpu.memory_space<vmem>>, vector<16xf32>,
      tpu.vector_store %arg5[%swap3A_158], %broadcast_in_dim3A_33 {strides = array<i32>} : memref<77824xf32, #tpu.memory_space<vmem>>, vector<16xf32>,
      %mul3A_160 = arith.constant 128 : i32
      %mul3A_161 = arith.muli %scan3A_130, %mul3A_160 : i32
      %add3A_162 = arith.constant 80 : i32
      %add3A_163 = arith.addi %mul3A_161, %add3A_162 : i32
      %swap3A_164 = arith.index_cast %add3A_163 : i32 to index
      %swap3A_165 = tpu.vector_load %arg5[%swap3A_164] {strides = array<i32>} : memref<77824xf32, #tpu.memory_space<vmem>>, vector<16xf32>,
      tpu.vector_store %arg5[%swap3A_164], %broadcast_in_dim3A_33 {strides = array<i32>} : memref<77824xf32, #tpu.memory_space<vmem>>, vector<16xf32>,
      %mul3A_166 = arith.constant 128 : i32
      %mul3A_167 = arith.muli %scan3A_130, %mul3A_166 : i32
      %add3A_168 = arith.constant 96 : i32
      %add3A_169 = arith.addi %mul3A_167, %add3A_168 : i32
      %swap3A_170 = arith.index_cast %add3A_169 : i32 to index
      %swap3A_171 = tpu.vector_load %arg5[%swap3A_170] {strides = array<i32>} : memref<77824xf32, #tpu.memory_space<vmem>>, vector<16xf32>,
      tpu.vector_store %arg5[%swap3A_170], %broadcast_in_dim3A_33 {strides = array<i32>} : memref<77824xf32, #tpu.memory_space<vmem>>, vector<16xf32>,
      %mul3A_172 = arith.constant 128 : i32
      %mul3A_173 = arith.muli %scan3A_130, %mul3A_172 : i32
      %add3A_174 = arith.constant 112 : i32
      %add3A_175 = arith.addi %mul3A_173, %add3A_174 : i32
      %swap3A_176 = arith.index_cast %add3A_175 : i32 to index
      %swap3A_177 = tpu.vector_load %arg5[%swap3A_176] {strides = array<i32>} : memref<77824xf32, #tpu.memory_space<vmem>>, vector<16xf32>,
      tpu.vector_store %arg5[%swap3A_176], %broadcast_in_dim3A_33 {strides = array<i32>} : memref<77824xf32, #tpu.memory_space<vmem>>, vector<16xf32>,
    }
    %scan3A_40 = arith.constant 608 : i32
    %iota3A = tpu.iota {dimensions = array<i32: 0>} : vector<16xi32>
    %broadcast_in_dim3A_41 = arith.constant -1.000000e+00 : f32
    %broadcast_in_dim3A_42 = vector.broadcast %broadcast_in_dim3A_41 : f32 to vector<16xf32>
    %add3A_43 = arith.constant 0 : i32
    %add3A_44 = arith.addi %mul3A_32, %add3A_43 : i32
    %jit3A_45 = arith.constant 4 : i32
    %div3A_46 = arith.divsi %add3A_44, %jit3A_45 : i32
    %sign3A_47 = arith.constant 0 : i32
    %sign3A_48 = arith.cmpi sgt, %add3A_44, %sign3A_47 : i32
    %sign3A_49 = arith.extui %sign3A_48 : i1 to i32
    %sign3A_50 = arith.constant 0 : i32
    %sign3A_51 = arith.cmpi slt, %add3A_44, %sign3A_50 : i32
    %sign3A_52 = arith.extui %sign3A_51 : i1 to i32
    %sign3A_53 = arith.subi %sign3A_49, %sign3A_52 : i32
    %sign3A_54 = arith.constant 0 : i32
    %sign3A_55 = arith.cmpi sgt, %jit3A_45, %sign3A_54 : i32
    %sign3A_56 = arith.extui %sign3A_55 : i1 to i32
    %sign3A_57 = arith.constant 0 : i32
    %sign3A_58 = arith.cmpi slt, %jit3A_45, %sign3A_57 : i32
    %sign3A_59 = arith.extui %sign3A_58 : i1 to i32
    %sign3A_60 = arith.subi %sign3A_56, %sign3A_59 : i32
    %ne3A_61 = arith.cmpi ne, %sign3A_53, %sign3A_60 : i32
    %rem3A_62 = arith.remsi %add3A_44, %jit3A_45 : i32
    %ne3A_63 = arith.constant 0 : i32
    %ne3A_64 = arith.cmpi ne, %rem3A_62, %ne3A_63 : i32
    %and3A_65 = arith.andi %ne3A_61, %ne3A_64 : i1
    %sub3A_66 = arith.constant 1 : i32
    %sub3A_67 = arith.subi %div3A_46, %sub3A_66 : i32
    %select_n3A_68 = arith.select %and3A_65, %sub3A_67, %div3A_46 : i32
    %mul3A_69 = arith.constant 8 : i32
    %mul3A_70 = arith.muli %select_n3A_68, %mul3A_69 : i32
    %jit3A_71 = arith.constant 4 : i32
    %eq3A_72 = arith.constant 0 : i32
    %eq3A_73 = arith.cmpi eq, %jit3A_71, %eq3A_72 : i32
    %jit3A_74 = arith.constant 1 : i32
    %select_n3A_75 = arith.select %eq3A_73, %jit3A_74, %jit3A_71 : i32
    %rem3A_76 = arith.remsi %add3A_44, %select_n3A_75 : i32
    %ne3A_77 = arith.constant 0 : i32
    %ne3A_78 = arith.cmpi ne, %rem3A_76, %ne3A_77 : i32
    %lt3A_79 = arith.constant 0 : i32
    %lt3A_80 = arith.cmpi slt, %rem3A_76, %lt3A_79 : i32
    %lt3A_81 = arith.constant 0 : i32
    %lt3A_82 = arith.cmpi slt, %select_n3A_75, %lt3A_81 : i32
    %ne3A_83 = arith.xori %lt3A_80, %lt3A_82 : i1
    %and3A_84 = arith.andi %ne3A_83, %ne3A_78 : i1
    %add3A_85 = arith.addi %rem3A_76, %select_n3A_75 : i32
    %select_n3A_86 = arith.select %and3A_84, %add3A_85, %rem3A_76 : i32
    %mul3A_87 = arith.constant 128 : i32
    %mul3A_88 = arith.muli %select_n3A_86, %mul3A_87 : i32
    %dma_start3A = arith.constant 0 : i32
    %dma_start3A_89 = arith.constant 0 : i32
    %dma_start3A_90 = arith.constant 0 : i32
    %dma_start3A_91 = arith.constant 0 : i32
    %dma_start3A_92 = arith.constant 0 : i32
    %dma_start3A_93 = tpu.memref_slice %arg6[%dma_start3A, %dma_start3A_90, %dma_start3A_91, %dma_start3A_92] : memref<2x19x8x128xf32, #tpu.memory_space<vmem>> -> memref<1x19x8x128xf32, #tpu.memory_space<vmem>>
    %dma_start3A_94 = tpu.memref_squeeze %dma_start3A_93 : memref<1x19x8x128xf32, #tpu.memory_space<vmem>> -> memref<19x8x128xf32, #tpu.memory_space<vmem>>
    %dma_start3A_95 = arith.constant 0 : i32
    %dma_start3A_96 = tpu.memref_slice %arg2[%select_n3A, %dma_start3A_95, %mul3A_70, %mul3A_88] : memref<4x19x512x512xf32, #tpu.memory_space<hbm>> -> memref<1x19x8x128xf32, #tpu.memory_space<hbm>>
    %dma_start3A_97 = tpu.memref_squeeze %dma_start3A_96 : memref<1x19x8x128xf32, #tpu.memory_space<hbm>> -> memref<19x8x128xf32, #tpu.memory_space<hbm>>
    %dma_start3A_98 = tpu.memref_slice %arg8[%dma_start3A_89] : memref<2x!tpu.dma_semaphore, #tpu.memory_space<semaphore_mem>> -> memref<1x!tpu.dma_semaphore, #tpu.memory_space<semaphore_mem>>
    %dma_start3A_99 = tpu.memref_squeeze %dma_start3A_98 : memref<1x!tpu.dma_semaphore, #tpu.memory_space<semaphore_mem>> -> memref<!tpu.dma_semaphore, #tpu.memory_space<semaphore_mem>>
    %dma_start3A_100 = arith.constant 0 : i32
    %dma_start3A_101 = arith.constant 0 : i32
    %dma_start3A_102 = arith.constant 0 : i32
    %dma_start3A_103 = tpu.memref_slice %arg6[%dma_start3A, %dma_start3A_100, %dma_start3A_101, %dma_start3A_102] : memref<2x19x8x128xf32, #tpu.memory_space<vmem>> -> memref<1x19x8x128xf32, #tpu.memory_space<vmem>>
    %dma_start3A_104 = tpu.memref_squeeze %dma_start3A_103 : memref<1x19x8x128xf32, #tpu.memory_space<vmem>> -> memref<19x8x128xf32, #tpu.memory_space<vmem>>
    %dma_start3A_105 = arith.constant 0 : i32
    %dma_start3A_106 = tpu.memref_slice %arg2[%select_n3A, %dma_start3A_105, %mul3A_70, %mul3A_88] : memref<4x19x512x512xf32, #tpu.memory_space<hbm>> -> memref<1x19x8x128xf32, #tpu.memory_space<hbm>>
    %dma_start3A_107 = tpu.memref_squeeze %dma_start3A_106 : memref<1x19x8x128xf32, #tpu.memory_space<hbm>> -> memref<19x8x128xf32, #tpu.memory_space<hbm>>
    tpu.enqueue_dma source(%dma_start3A_107 : memref<19x8x128xf32, #tpu.memory_space<hbm>>) target(%dma_start3A_104 : memref<19x8x128xf32, #tpu.memory_space<vmem>>) target_semaphore(%dma_start3A_99 : memref<!tpu.dma_semaphore, #tpu.memory_space<semaphore_mem>>)
    %dma_start3A_108 = arith.constant 0 : i32
    %dma_start3A_109 = arith.constant 0 : i32
    %dma_start3A_110 = arith.constant 0 : i32
    %dma_start3A_111 = arith.constant 0 : i32
    %dma_start3A_112 = tpu.memref_slice %arg7[%dma_start3A_108, %dma_start3A_110, %dma_start3A_111] : memref<2x8x128xi32, #tpu.memory_space<vmem>> -> memref<1x8x128xi32, #tpu.memory_space<vmem>>
    %dma_start3A_113 = tpu.memref_squeeze %dma_start3A_112 : memref<1x8x128xi32, #tpu.memory_space<vmem>> -> memref<8x128xi32, #tpu.memory_space<vmem>>
    %dma_start3A_114 = tpu.memref_slice %arg3[%select_n3A, %mul3A_70, %mul3A_88] : memref<4x512x512xi32, #tpu.memory_space<hbm>> -> memref<1x8x128xi32, #tpu.memory_space<hbm>>
    %dma_start3A_115 = tpu.memref_squeeze %dma_start3A_114 : memref<1x8x128xi32, #tpu.memory_space<hbm>> -> memref<8x128xi32, #tpu.memory_space<hbm>>
    %dma_start3A_116 = tpu.memref_slice %arg9[%dma_start3A_109] : memref<2x!tpu.dma_semaphore, #tpu.memory_space<semaphore_mem>> -> memref<1x!tpu.dma_semaphore, #tpu.memory_space<semaphore_mem>>
    %dma_start3A_117 = tpu.memref_squeeze %dma_start3A_116 : memref<1x!tpu.dma_semaphore, #tpu.memory_space<semaphore_mem>> -> memref<!tpu.dma_semaphore, #tpu.memory_space<semaphore_mem>>
    %dma_start3A_118 = arith.constant 0 : i32
    %dma_start3A_119 = arith.constant 0 : i32
    %dma_start3A_120 = tpu.memref_slice %arg7[%dma_start3A_108, %dma_start3A_118, %dma_start3A_119] : memref<2x8x128xi32, #tpu.memory_space<vmem>> -> memref<1x8x128xi32, #tpu.memory_space<vmem>>
    %dma_start3A_121 = tpu.memref_squeeze %dma_start3A_120 : memref<1x8x128xi32, #tpu.memory_space<vmem>> -> memref<8x128xi32, #tpu.memory_space<vmem>>
    %dma_start3A_122 = tpu.memref_slice %arg3[%select_n3A, %mul3A_70, %mul3A_88] : memref<4x512x512xi32, #tpu.memory_space<hbm>> -> memref<1x8x128xi32, #tpu.memory_space<hbm>>
    %dma_start3A_123 = tpu.memref_squeeze %dma_start3A_122 : memref<1x8x128xi32, #tpu.memory_space<hbm>> -> memref<8x128xi32, #tpu.memory_space<hbm>>
    tpu.enqueue_dma source(%dma_start3A_123 : memref<8x128xi32, #tpu.memory_space<hbm>>) target(%dma_start3A_121 : memref<8x128xi32, #tpu.memory_space<vmem>>) target_semaphore(%dma_start3A_117 : memref<!tpu.dma_semaphore, #tpu.memory_space<semaphore_mem>>)
    %scan3A_124 = arith.constant 0 : i32
    %scan3A_125 = arith.constant 0 : i32
    %scan3A_126 = arith.constant 16 : i32
    %scan3A_127 = arith.addi %scan3A_125, %scan3A_126 : i32
    %scan3A_128 = arith.constant 1 : i32
    scf.for %scan3A_130 = %scan3A_125 to %scan3A_127 step %scan3A_128  : i32 {
      %mul3A_131 = arith.constant 2 : i32
      %mul3A_132 = arith.muli %scan3A_130, %mul3A_131 : i32
      %add3A_133 = arith.constant 0 : i32
      %add3A_134 = arith.addi %mul3A_132, %add3A_133 : i32
      %dma_wait3A = arith.constant 0 : i32
      %dma_wait3A_135 = arith.constant 0 : i32
      %dma_wait3A_136 = arith.constant 0 : i32
      %dma_wait3A_137 = arith.constant 0 : i32
      %dma_wait3A_138 = arith.constant 0 : i32
      %dma_wait3A_139 = arith.constant 0 : i32
      %dma_wait3A_140 = tpu.memref_slice %arg6[%dma_wait3A_135, %dma_wait3A_137, %dma_wait3A_138, %dma_wait3A_139] : memref<2x19x8x128xf32, #tpu.memory_space<vmem>> -> memref<1x19x8x128xf32, #tpu.memory_space<vmem>>
      %dma_wait3A_141 = tpu.memref_squeeze %dma_wait3A_140 : memref<1x19x8x128xf32, #tpu.memory_space<vmem>> -> memref<19x8x128xf32, #tpu.memory_space<vmem>>
      %dma_wait3A_142 = arith.constant 0 : i32
      %dma_wait3A_143 = arith.constant 0 : i32
      %dma_wait3A_144 = arith.constant 0 : i32
      %dma_wait3A_145 = tpu.memref_slice %arg2[%dma_wait3A, %dma_wait3A_142, %dma_wait3A_143, %dma_wait3A_144] : memref<4x19x512x512xf32, #tpu.memory_space<hbm>> -> memref<1x19x8x128xf32, #tpu.memory_space<hbm>>
      %dma_wait3A_146 = tpu.memref_squeeze %dma_wait3A_145 : memref<1x19x8x128xf32, #tpu.memory_space<hbm>> -> memref<19x8x128xf32, #tpu.memory_space<hbm>>
      %dma_wait3A_147 = tpu.memref_slice %arg8[%dma_wait3A_136] : memref<2x!tpu.dma_semaphore, #tpu.memory_space<semaphore_mem>> -> memref<1x!tpu.dma_semaphore, #tpu.memory_space<semaphore_mem>>
      %dma_wait3A_148 = tpu.memref_squeeze %dma_wait3A_147 : memref<1x!tpu.dma_semaphore, #tpu.memory_space<semaphore_mem>> -> memref<!tpu.dma_semaphore, #tpu.memory_space<semaphore_mem>>
      %dma_wait3A_149 = arith.constant 0 : i32
      %dma_wait3A_150 = arith.constant 0 : i32
      %dma_wait3A_151 = arith.constant 0 : i32
      %dma_wait3A_152 = tpu.memref_slice %arg6[%dma_wait3A_135, %dma_wait3A_149, %dma_wait3A_150, %dma_wait3A_151] : memref<2x19x8x128xf32, #tpu.memory_space<vmem>> -> memref<1x19x8x128xf32, #tpu.memory_space<vmem>>
      %dma_wait3A_153 = tpu.memref_squeeze %dma_wait3A_152 : memref<1x19x8x128xf32, #tpu.memory_space<vmem>> -> memref<19x8x128xf32, #tpu.memory_space<vmem>>
      %dma_wait3A_154 = arith.constant 0 : i32
      %dma_wait3A_155 = arith.constant 0 : i32
      %dma_wait3A_156 = arith.constant 0 : i32
      %dma_wait3A_157 = tpu.memref_slice %arg2[%dma_wait3A, %dma_wait3A_154, %dma_wait3A_155, %dma_wait3A_156] : memref<4x19x512x512xf32, #tpu.memory_space<hbm>> -> memref<1x19x8x128xf32, #tpu.memory_space<hbm>>
      %dma_wait3A_158 = tpu.memref_squeeze %dma_wait3A_157 : memref<1x19x8x128xf32, #tpu.memory_space<hbm>> -> memref<19x8x128xf32, #tpu.memory_space<hbm>>
      tpu.wait_dma2 semaphore(%dma_wait3A_148 : memref<!tpu.dma_semaphore, #tpu.memory_space<semaphore_mem>>) src(%dma_wait3A_158 : memref<19x8x128xf32, #tpu.memory_space<hbm>>) dst(%dma_wait3A_153 : memref<19x8x128xf32, #tpu.memory_space<vmem>>)
      %dma_wait3A_159 = arith.constant 0 : i32
      %dma_wait3A_160 = arith.constant 0 : i32
      %dma_wait3A_161 = arith.constant 0 : i32
      %dma_wait3A_162 = arith.constant 0 : i32
      %dma_wait3A_163 = arith.constant 0 : i32
      %dma_wait3A_164 = tpu.memref_slice %arg7[%dma_wait3A_160, %dma_wait3A_162, %dma_wait3A_163] : memref<2x8x128xi32, #tpu.memory_space<vmem>> -> memref<1x8x128xi32, #tpu.memory_space<vmem>>
      %dma_wait3A_165 = tpu.memref_squeeze %dma_wait3A_164 : memref<1x8x128xi32, #tpu.memory_space<vmem>> -> memref<8x128xi32, #tpu.memory_space<vmem>>
      %dma_wait3A_166 = arith.constant 0 : i32
      %dma_wait3A_167 = arith.constant 0 : i32
      %dma_wait3A_168 = tpu.memref_slice %arg3[%dma_wait3A_159, %dma_wait3A_166, %dma_wait3A_167] : memref<4x512x512xi32, #tpu.memory_space<hbm>> -> memref<1x8x128xi32, #tpu.memory_space<hbm>>
      %dma_wait3A_169 = tpu.memref_squeeze %dma_wait3A_168 : memref<1x8x128xi32, #tpu.memory_space<hbm>> -> memref<8x128xi32, #tpu.memory_space<hbm>>
      %dma_wait3A_170 = tpu.memref_slice %arg9[%dma_wait3A_161] : memref<2x!tpu.dma_semaphore, #tpu.memory_space<semaphore_mem>> -> memref<1x!tpu.dma_semaphore, #tpu.memory_space<semaphore_mem>>
      %dma_wait3A_171 = tpu.memref_squeeze %dma_wait3A_170 : memref<1x!tpu.dma_semaphore, #tpu.memory_space<semaphore_mem>> -> memref<!tpu.dma_semaphore, #tpu.memory_space<semaphore_mem>>
      %dma_wait3A_172 = arith.constant 0 : i32
      %dma_wait3A_173 = arith.constant 0 : i32
      %dma_wait3A_174 = tpu.memref_slice %arg7[%dma_wait3A_160, %dma_wait3A_172, %dma_wait3A_173] : memref<2x8x128xi32, #tpu.memory_space<vmem>> -> memref<1x8x128xi32, #tpu.memory_space<vmem>>
      %dma_wait3A_175 = tpu.memref_squeeze %dma_wait3A_174 : memref<1x8x128xi32, #tpu.memory_space<vmem>> -> memref<8x128xi32, #tpu.memory_space<vmem>>
      %dma_wait3A_176 = arith.constant 0 : i32
      %dma_wait3A_177 = arith.constant 0 : i32
      %dma_wait3A_178 = tpu.memref_slice %arg3[%dma_wait3A_159, %dma_wait3A_176, %dma_wait3A_177] : memref<4x512x512xi32, #tpu.memory_space<hbm>> -> memref<1x8x128xi32, #tpu.memory_space<hbm>>
      %dma_wait3A_179 = tpu.memref_squeeze %dma_wait3A_178 : memref<1x8x128xi32, #tpu.memory_space<hbm>> -> memref<8x128xi32, #tpu.memory_space<hbm>>
      tpu.wait_dma2 semaphore(%dma_wait3A_171 : memref<!tpu.dma_semaphore, #tpu.memory_space<semaphore_mem>>) src(%dma_wait3A_179 : memref<8x128xi32, #tpu.memory_space<hbm>>) dst(%dma_wait3A_175 : memref<8x128xi32, #tpu.memory_space<vmem>>)
      %add3A_180 = arith.constant 1 : i32
      %add3A_181 = arith.addi %add3A_134, %add3A_180 : i32
      %lt3A_182 = arith.constant 32 : i32
      %lt3A_183 = arith.cmpi slt, %add3A_181, %lt3A_182 : i32
      %convert_element_type3A = arith.extui %lt3A_183 : i1 to i32
      %cond3A = arith.constant 0 : i32
      %cond3A_184 = arith.cmpi ne, %convert_element_type3A, %cond3A : i32
      scf.if %cond3A_184 {
        %add3A_258 = arith.addi %mul3A_32, %add3A_181 : i32
        %jit3A_259 = arith.constant 4 : i32
        %div3A_260 = arith.divsi %add3A_258, %jit3A_259 : i32
        %sign3A_261 = arith.constant 0 : i32
        %sign3A_262 = arith.cmpi sgt, %add3A_258, %sign3A_261 : i32
        %sign3A_263 = arith.extui %sign3A_262 : i1 to i32
        %sign3A_264 = arith.constant 0 : i32
        %sign3A_265 = arith.cmpi slt, %add3A_258, %sign3A_264 : i32
        %sign3A_266 = arith.extui %sign3A_265 : i1 to i32
        %sign3A_267 = arith.subi %sign3A_263, %sign3A_266 : i32
        %sign3A_268 = arith.constant 0 : i32
        %sign3A_269 = arith.cmpi sgt, %jit3A_259, %sign3A_268 : i32
        %sign3A_270 = arith.extui %sign3A_269 : i1 to i32
        %sign3A_271 = arith.constant 0 : i32
        %sign3A_272 = arith.cmpi slt, %jit3A_259, %sign3A_271 : i32
        %sign3A_273 = arith.extui %sign3A_272 : i1 to i32
        %sign3A_274 = arith.subi %sign3A_270, %sign3A_273 : i32
        %ne3A_275 = arith.cmpi ne, %sign3A_267, %sign3A_274 : i32
        %rem3A_276 = arith.remsi %add3A_258, %jit3A_259 : i32
        %ne3A_277 = arith.constant 0 : i32
        %ne3A_278 = arith.cmpi ne, %rem3A_276, %ne3A_277 : i32
        %and3A_279 = arith.andi %ne3A_275, %ne3A_278 : i1
        %sub3A_280 = arith.constant 1 : i32
        %sub3A_281 = arith.subi %div3A_260, %sub3A_280 : i32
        %select_n3A_282 = arith.select %and3A_279, %sub3A_281, %div3A_260 : i32
        %mul3A_283 = arith.constant 8 : i32
        %mul3A_284 = arith.muli %select_n3A_282, %mul3A_283 : i32
        %jit3A_285 = arith.constant 4 : i32
        %eq3A_286 = arith.constant 0 : i32
        %eq3A_287 = arith.cmpi eq, %jit3A_285, %eq3A_286 : i32
        %jit3A_288 = arith.constant 1 : i32
        %select_n3A_289 = arith.select %eq3A_287, %jit3A_288, %jit3A_285 : i32
        %rem3A_290 = arith.remsi %add3A_258, %select_n3A_289 : i32
        %ne3A_291 = arith.constant 0 : i32
        %ne3A_292 = arith.cmpi ne, %rem3A_290, %ne3A_291 : i32
        %lt3A_293 = arith.constant 0 : i32
        %lt3A_294 = arith.cmpi slt, %rem3A_290, %lt3A_293 : i32
        %lt3A_295 = arith.constant 0 : i32
        %lt3A_296 = arith.cmpi slt, %select_n3A_289, %lt3A_295 : i32
        %ne3A_297 = arith.xori %lt3A_294, %lt3A_296 : i1
        %and3A_298 = arith.andi %ne3A_297, %ne3A_292 : i1
        %add3A_299 = arith.addi %rem3A_290, %select_n3A_289 : i32
        %select_n3A_300 = arith.select %and3A_298, %add3A_299, %rem3A_290 : i32
        %mul3A_301 = arith.constant 128 : i32
        %mul3A_302 = arith.muli %select_n3A_300, %mul3A_301 : i32
        %dma_start3A_303 = arith.constant 1 : i32
        %dma_start3A_304 = arith.constant 1 : i32
        %dma_start3A_305 = arith.constant 0 : i32
        %dma_start3A_306 = arith.constant 0 : i32
        %dma_start3A_307 = arith.constant 0 : i32
        %dma_start3A_308 = tpu.memref_slice %arg6[%dma_start3A_303, %dma_start3A_305, %dma_start3A_306, %dma_start3A_307] : memref<2x19x8x128xf32, #tpu.memory_space<vmem>> -> memref<1x19x8x128xf32, #tpu.memory_space<vmem>>
        %dma_start3A_309 = tpu.memref_squeeze %dma_start3A_308 : memref<1x19x8x128xf32, #tpu.memory_space<vmem>> -> memref<19x8x128xf32, #tpu.memory_space<vmem>>
        %dma_start3A_310 = arith.constant 0 : i32
        %dma_start3A_311 = tpu.memref_slice %arg2[%select_n3A, %dma_start3A_310, %mul3A_284, %mul3A_302] : memref<4x19x512x512xf32, #tpu.memory_space<hbm>> -> memref<1x19x8x128xf32, #tpu.memory_space<hbm>>
        %dma_start3A_312 = tpu.memref_squeeze %dma_start3A_311 : memref<1x19x8x128xf32, #tpu.memory_space<hbm>> -> memref<19x8x128xf32, #tpu.memory_space<hbm>>
        %dma_start3A_313 = tpu.memref_slice %arg8[%dma_start3A_304] : memref<2x!tpu.dma_semaphore, #tpu.memory_space<semaphore_mem>> -> memref<1x!tpu.dma_semaphore, #tpu.memory_space<semaphore_mem>>
        %dma_start3A_314 = tpu.memref_squeeze %dma_start3A_313 : memref<1x!tpu.dma_semaphore, #tpu.memory_space<semaphore_mem>> -> memref<!tpu.dma_semaphore, #tpu.memory_space<semaphore_mem>>
        %dma_start3A_315 = arith.constant 0 : i32
        %dma_start3A_316 = arith.constant 0 : i32
        %dma_start3A_317 = arith.constant 0 : i32
        %dma_start3A_318 = tpu.memref_slice %arg6[%dma_start3A_303, %dma_start3A_315, %dma_start3A_316, %dma_start3A_317] : memref<2x19x8x128xf32, #tpu.memory_space<vmem>> -> memref<1x19x8x128xf32, #tpu.memory_space<vmem>>
        %dma_start3A_319 = tpu.memref_squeeze %dma_start3A_318 : memref<1x19x8x128xf32, #tpu.memory_space<vmem>> -> memref<19x8x128xf32, #tpu.memory_space<vmem>>
        %dma_start3A_320 = arith.constant 0 : i32
        %dma_start3A_321 = tpu.memref_slice %arg2[%select_n3A, %dma_start3A_320, %mul3A_284, %mul3A_302] : memref<4x19x512x512xf32, #tpu.memory_space<hbm>> -> memref<1x19x8x128xf32, #tpu.memory_space<hbm>>
        %dma_start3A_322 = tpu.memref_squeeze %dma_start3A_321 : memref<1x19x8x128xf32, #tpu.memory_space<hbm>> -> memref<19x8x128xf32, #tpu.memory_space<hbm>>
        tpu.enqueue_dma source(%dma_start3A_322 : memref<19x8x128xf32, #tpu.memory_space<hbm>>) target(%dma_start3A_319 : memref<19x8x128xf32, #tpu.memory_space<vmem>>) target_semaphore(%dma_start3A_314 : memref<!tpu.dma_semaphore, #tpu.memory_space<semaphore_mem>>)
        %dma_start3A_323 = arith.constant 1 : i32
        %dma_start3A_324 = arith.constant 1 : i32
        %dma_start3A_325 = arith.constant 0 : i32
        %dma_start3A_326 = arith.constant 0 : i32
        %dma_start3A_327 = tpu.memref_slice %arg7[%dma_start3A_323, %dma_start3A_325, %dma_start3A_326] : memref<2x8x128xi32, #tpu.memory_space<vmem>> -> memref<1x8x128xi32, #tpu.memory_space<vmem>>
        %dma_start3A_328 = tpu.memref_squeeze %dma_start3A_327 : memref<1x8x128xi32, #tpu.memory_space<vmem>> -> memref<8x128xi32, #tpu.memory_space<vmem>>
        %dma_start3A_329 = tpu.memref_slice %arg3[%select_n3A, %mul3A_284, %mul3A_302] : memref<4x512x512xi32, #tpu.memory_space<hbm>> -> memref<1x8x128xi32, #tpu.memory_space<hbm>>
        %dma_start3A_330 = tpu.memref_squeeze %dma_start3A_329 : memref<1x8x128xi32, #tpu.memory_space<hbm>> -> memref<8x128xi32, #tpu.memory_space<hbm>>
        %dma_start3A_331 = tpu.memref_slice %arg9[%dma_start3A_324] : memref<2x!tpu.dma_semaphore, #tpu.memory_space<semaphore_mem>> -> memref<1x!tpu.dma_semaphore, #tpu.memory_space<semaphore_mem>>
        %dma_start3A_332 = tpu.memref_squeeze %dma_start3A_331 : memref<1x!tpu.dma_semaphore, #tpu.memory_space<semaphore_mem>> -> memref<!tpu.dma_semaphore, #tpu.memory_space<semaphore_mem>>
        %dma_start3A_333 = arith.constant 0 : i32
        %dma_start3A_334 = arith.constant 0 : i32
        %dma_start3A_335 = tpu.memref_slice %arg7[%dma_start3A_323, %dma_start3A_333, %dma_start3A_334] : memref<2x8x128xi32, #tpu.memory_space<vmem>> -> memref<1x8x128xi32, #tpu.memory_space<vmem>>
        %dma_start3A_336 = tpu.memref_squeeze %dma_start3A_335 : memref<1x8x128xi32, #tpu.memory_space<vmem>> -> memref<8x128xi32, #tpu.memory_space<vmem>>
        %dma_start3A_337 = tpu.memref_slice %arg3[%select_n3A, %mul3A_284, %mul3A_302] : memref<4x512x512xi32, #tpu.memory_space<hbm>> -> memref<1x8x128xi32, #tpu.memory_space<hbm>>
        %dma_start3A_338 = tpu.memref_squeeze %dma_start3A_337 : memref<1x8x128xi32, #tpu.memory_space<hbm>> -> memref<8x128xi32, #tpu.memory_space<hbm>>
        tpu.enqueue_dma source(%dma_start3A_338 : memref<8x128xi32, #tpu.memory_space<hbm>>) target(%dma_start3A_336 : memref<8x128xi32, #tpu.memory_space<vmem>>) target_semaphore(%dma_start3A_332 : memref<!tpu.dma_semaphore, #tpu.memory_space<semaphore_mem>>)
      } else {
      }
      %broadcast_in_dim3A_185 = arith.constant 0 : i32
      %broadcast_in_dim3A_186 = vector.broadcast %broadcast_in_dim3A_185 : i32 to vector<16xi32>
      %scan3A_187 = arith.constant 0 : i32
      %scan3A_188 = arith.constant 0 : i32
      %scan3A_189 = arith.constant 64 : i32
      %scan3A_190 = arith.addi %scan3A_188, %scan3A_189 : i32
      %scan3A_191 = arith.constant 1 : i32
      scf.for %scan3A_258 = %scan3A_188 to %scan3A_190 step %scan3A_191  : i32 {
        %jit3A_259 = arith.constant 8 : i32
        %div3A_260 = arith.divsi %scan3A_258, %jit3A_259 : i32
        %sign3A_261 = arith.constant 0 : i32
        %sign3A_262 = arith.cmpi sgt, %scan3A_258, %sign3A_261 : i32
        %sign3A_263 = arith.extui %sign3A_262 : i1 to i32
        %sign3A_264 = arith.constant 0 : i32
        %sign3A_265 = arith.cmpi slt, %scan3A_258, %sign3A_264 : i32
        %sign3A_266 = arith.extui %sign3A_265 : i1 to i32
        %sign3A_267 = arith.subi %sign3A_263, %sign3A_266 : i32
        %sign3A_268 = arith.constant 0 : i32
        %sign3A_269 = arith.cmpi sgt, %jit3A_259, %sign3A_268 : i32
        %sign3A_270 = arith.extui %sign3A_269 : i1 to i32
        %sign3A_271 = arith.constant 0 : i32
        %sign3A_272 = arith.cmpi slt, %jit3A_259, %sign3A_271 : i32
        %sign3A_273 = arith.extui %sign3A_272 : i1 to i32
        %sign3A_274 = arith.subi %sign3A_270, %sign3A_273 : i32
        %ne3A_275 = arith.cmpi ne, %sign3A_267, %sign3A_274 : i32
        %rem3A_276 = arith.remsi %scan3A_258, %jit3A_259 : i32
        %ne3A_277 = arith.constant 0 : i32
        %ne3A_278 = arith.cmpi ne, %rem3A_276, %ne3A_277 : i32
        %and3A_279 = arith.andi %ne3A_275, %ne3A_278 : i1
        %sub3A_280 = arith.constant 1 : i32
        %sub3A_281 = arith.subi %div3A_260, %sub3A_280 : i32
        %select_n3A_282 = arith.select %and3A_279, %sub3A_281, %div3A_260 : i32
        %jit3A_283 = arith.constant 8 : i32
        %eq3A_284 = arith.constant 0 : i32
        %eq3A_285 = arith.cmpi eq, %jit3A_283, %eq3A_284 : i32
        %jit3A_286 = arith.constant 1 : i32
        %select_n3A_287 = arith.select %eq3A_285, %jit3A_286, %jit3A_283 : i32
        %rem3A_288 = arith.remsi %scan3A_258, %select_n3A_287 : i32
        %ne3A_289 = arith.constant 0 : i32
        %ne3A_290 = arith.cmpi ne, %rem3A_288, %ne3A_289 : i32
        %lt3A_291 = arith.constant 0 : i32
        %lt3A_292 = arith.cmpi slt, %rem3A_288, %lt3A_291 : i32
        %lt3A_293 = arith.constant 0 : i32
        %lt3A_294 = arith.cmpi slt, %select_n3A_287, %lt3A_293 : i32
        %ne3A_295 = arith.xori %lt3A_292, %lt3A_294 : i1
        %and3A_296 = arith.andi %ne3A_295, %ne3A_290 : i1
        %add3A_297 = arith.addi %rem3A_288, %select_n3A_287 : i32
        %select_n3A_298 = arith.select %and3A_296, %add3A_297, %rem3A_288 : i32
        %mul3A_299 = arith.constant 16 : i32
        %mul3A_300 = arith.muli %select_n3A_298, %mul3A_299 : i32
        %get3A = arith.constant 0 : i32
        %get3A_301 = arith.index_cast %get3A : i32 to index
        %get3A_302 = arith.index_cast %select_n3A_282 : i32 to index
        %get3A_303 = arith.index_cast %mul3A_300 : i32 to index
        %get3A_304 = tpu.vector_load %arg7[%get3A_301, %get3A_302, %get3A_303] {strides = array<i32>} : memref<2x8x128xi32, #tpu.memory_space<vmem>>, vector<16xi32>,
        %get3A_305 = arith.constant 0 : i32
        %get3A_306 = arith.constant 0 : i32
        %get3A_307 = arith.index_cast %get3A_305 : i32 to index
        %get3A_308 = arith.index_cast %get3A_306 : i32 to index
        %get3A_309 = arith.index_cast %select_n3A_282 : i32 to index
        %get3A_310 = arith.index_cast %mul3A_300 : i32 to index
        %get3A_311 = tpu.vector_load %arg6[%get3A_307, %get3A_308, %get3A_309, %get3A_310] {strides = array<i32>} : memref<2x19x8x128xf32, #tpu.memory_space<vmem>>, vector<16xf32>,
        %exp3A = math.exp %get3A_311 : vector<16xf32>
        %add3A_312 = arith.addf %broadcast_in_dim3A_33, %exp3A : vector<16xf32>
        %get3A_313 = arith.constant 0 : i32
        %get3A_314 = arith.constant 1 : i32
        %get3A_315 = arith.index_cast %get3A_313 : i32 to index
        %get3A_316 = arith.index_cast %get3A_314 : i32 to index
        %get3A_317 = arith.index_cast %select_n3A_282 : i32 to index
        %get3A_318 = arith.index_cast %mul3A_300 : i32 to index
        %get3A_319 = tpu.vector_load %arg6[%get3A_315, %get3A_316, %get3A_317, %get3A_318] {strides = array<i32>} : memref<2x19x8x128xf32, #tpu.memory_space<vmem>>, vector<16xf32>,
        %exp3A_320 = math.exp %get3A_319 : vector<16xf32>
        %add3A_321 = arith.addf %broadcast_in_dim3A_33, %exp3A_320 : vector<16xf32>
        %get3A_322 = arith.constant 0 : i32
        %get3A_323 = arith.constant 2 : i32
        %get3A_324 = arith.index_cast %get3A_322 : i32 to index
        %get3A_325 = arith.index_cast %get3A_323 : i32 to index
        %get3A_326 = arith.index_cast %select_n3A_282 : i32 to index
        %get3A_327 = arith.index_cast %mul3A_300 : i32 to index
        %get3A_328 = tpu.vector_load %arg6[%get3A_324, %get3A_325, %get3A_326, %get3A_327] {strides = array<i32>} : memref<2x19x8x128xf32, #tpu.memory_space<vmem>>, vector<16xf32>,
        %exp3A_329 = math.exp %get3A_328 : vector<16xf32>
        %add3A_330 = arith.addf %broadcast_in_dim3A_33, %exp3A_329 : vector<16xf32>
        %get3A_331 = arith.constant 0 : i32
        %get3A_332 = arith.constant 3 : i32
        %get3A_333 = arith.index_cast %get3A_331 : i32 to index
        %get3A_334 = arith.index_cast %get3A_332 : i32 to index
        %get3A_335 = arith.index_cast %select_n3A_282 : i32 to index
        %get3A_336 = arith.index_cast %mul3A_300 : i32 to index
        %get3A_337 = tpu.vector_load %arg6[%get3A_333, %get3A_334, %get3A_335, %get3A_336] {strides = array<i32>} : memref<2x19x8x128xf32, #tpu.memory_space<vmem>>, vector<16xf32>,
        %exp3A_338 = math.exp %get3A_337 : vector<16xf32>
        %add3A_339 = arith.addf %broadcast_in_dim3A_33, %exp3A_338 : vector<16xf32>
        %get3A_340 = arith.constant 0 : i32
        %get3A_341 = arith.constant 4 : i32
        %get3A_342 = arith.index_cast %get3A_340 : i32 to index
        %get3A_343 = arith.index_cast %get3A_341 : i32 to index
        %get3A_344 = arith.index_cast %select_n3A_282 : i32 to index
        %get3A_345 = arith.index_cast %mul3A_300 : i32 to index
        %get3A_346 = tpu.vector_load %arg6[%get3A_342, %get3A_343, %get3A_344, %get3A_345] {strides = array<i32>} : memref<2x19x8x128xf32, #tpu.memory_space<vmem>>, vector<16xf32>,
        %exp3A_347 = math.exp %get3A_346 : vector<16xf32>
        %add3A_348 = arith.addf %add3A_312, %exp3A_347 : vector<16xf32>
        %get3A_349 = arith.constant 0 : i32
        %get3A_350 = arith.constant 5 : i32
        %get3A_351 = arith.index_cast %get3A_349 : i32 to index
        %get3A_352 = arith.index_cast %get3A_350 : i32 to index
        %get3A_353 = arith.index_cast %select_n3A_282 : i32 to index
        %get3A_354 = arith.index_cast %mul3A_300 : i32 to index
        %get3A_355 = tpu.vector_load %arg6[%get3A_351, %get3A_352, %get3A_353, %get3A_354] {strides = array<i32>} : memref<2x19x8x128xf32, #tpu.memory_space<vmem>>, vector<16xf32>,
        %exp3A_356 = math.exp %get3A_355 : vector<16xf32>
        %add3A_357 = arith.addf %add3A_321, %exp3A_356 : vector<16xf32>
        %get3A_358 = arith.constant 0 : i32
        %get3A_359 = arith.constant 6 : i32
        %get3A_360 = arith.index_cast %get3A_358 : i32 to index
        %get3A_361 = arith.index_cast %get3A_359 : i32 to index
        %get3A_362 = arith.index_cast %select_n3A_282 : i32 to index
        %get3A_363 = arith.index_cast %mul3A_300 : i32 to index
        %get3A_364 = tpu.vector_load %arg6[%get3A_360, %get3A_361, %get3A_362, %get3A_363] {strides = array<i32>} : memref<2x19x8x128xf32, #tpu.memory_space<vmem>>, vector<16xf32>,
        %exp3A_365 = math.exp %get3A_364 : vector<16xf32>
        %add3A_366 = arith.addf %add3A_330, %exp3A_365 : vector<16xf32>
        %get3A_367 = arith.constant 0 : i32
        %get3A_368 = arith.constant 7 : i32
        %get3A_369 = arith.index_cast %get3A_367 : i32 to index
        %get3A_370 = arith.index_cast %get3A_368 : i32 to index
        %get3A_371 = arith.index_cast %select_n3A_282 : i32 to index
        %get3A_372 = arith.index_cast %mul3A_300 : i32 to index
        %get3A_373 = tpu.vector_load %arg6[%get3A_369, %get3A_370, %get3A_371, %get3A_372] {strides = array<i32>} : memref<2x19x8x128xf32, #tpu.memory_space<vmem>>, vector<16xf32>,
        %exp3A_374 = math.exp %get3A_373 : vector<16xf32>
        %add3A_375 = arith.addf %add3A_339, %exp3A_374 : vector<16xf32>
        %get3A_376 = arith.constant 0 : i32
        %get3A_377 = arith.constant 8 : i32
        %get3A_378 = arith.index_cast %get3A_376 : i32 to index
        %get3A_379 = arith.index_cast %get3A_377 : i32 to index
        %get3A_380 = arith.index_cast %select_n3A_282 : i32 to index
        %get3A_381 = arith.index_cast %mul3A_300 : i32 to index
        %get3A_382 = tpu.vector_load %arg6[%get3A_378, %get3A_379, %get3A_380, %get3A_381] {strides = array<i32>} : memref<2x19x8x128xf32, #tpu.memory_space<vmem>>, vector<16xf32>,
        %exp3A_383 = math.exp %get3A_382 : vector<16xf32>
        %add3A_384 = arith.addf %add3A_348, %exp3A_383 : vector<16xf32>
        %get3A_385 = arith.constant 0 : i32
        %get3A_386 = arith.constant 9 : i32
        %get3A_387 = arith.index_cast %get3A_385 : i32 to index
        %get3A_388 = arith.index_cast %get3A_386 : i32 to index
        %get3A_389 = arith.index_cast %select_n3A_282 : i32 to index
        %get3A_390 = arith.index_cast %mul3A_300 : i32 to index
        %get3A_391 = tpu.vector_load %arg6[%get3A_387, %get3A_388, %get3A_389, %get3A_390] {strides = array<i32>} : memref<2x19x8x128xf32, #tpu.memory_space<vmem>>, vector<16xf32>,
        %exp3A_392 = math.exp %get3A_391 : vector<16xf32>
        %add3A_393 = arith.addf %add3A_357, %exp3A_392 : vector<16xf32>
        %get3A_394 = arith.constant 0 : i32
        %get3A_395 = arith.constant 10 : i32
        %get3A_396 = arith.index_cast %get3A_394 : i32 to index
        %get3A_397 = arith.index_cast %get3A_395 : i32 to index
        %get3A_398 = arith.index_cast %select_n3A_282 : i32 to index
        %get3A_399 = arith.index_cast %mul3A_300 : i32 to index
        %get3A_400 = tpu.vector_load %arg6[%get3A_396, %get3A_397, %get3A_398, %get3A_399] {strides = array<i32>} : memref<2x19x8x128xf32, #tpu.memory_space<vmem>>, vector<16xf32>,
        %exp3A_401 = math.exp %get3A_400 : vector<16xf32>
        %add3A_402 = arith.addf %add3A_366, %exp3A_401 : vector<16xf32>
        %get3A_403 = arith.constant 0 : i32
        %get3A_404 = arith.constant 11 : i32
        %get3A_405 = arith.index_cast %get3A_403 : i32 to index
        %get3A_406 = arith.index_cast %get3A_404 : i32 to index
        %get3A_407 = arith.index_cast %select_n3A_282 : i32 to index
        %get3A_408 = arith.index_cast %mul3A_300 : i32 to index
        %get3A_409 = tpu.vector_load %arg6[%get3A_405, %get3A_406, %get3A_407, %get3A_408] {strides = array<i32>} : memref<2x19x8x128xf32, #tpu.memory_space<vmem>>, vector<16xf32>,
        %exp3A_410 = math.exp %get3A_409 : vector<16xf32>
        %add3A_411 = arith.addf %add3A_375, %exp3A_410 : vector<16xf32>
        %get3A_412 = arith.constant 0 : i32
        %get3A_413 = arith.constant 12 : i32
        %get3A_414 = arith.index_cast %get3A_412 : i32 to index
        %get3A_415 = arith.index_cast %get3A_413 : i32 to index
        %get3A_416 = arith.index_cast %select_n3A_282 : i32 to index
        %get3A_417 = arith.index_cast %mul3A_300 : i32 to index
        %get3A_418 = tpu.vector_load %arg6[%get3A_414, %get3A_415, %get3A_416, %get3A_417] {strides = array<i32>} : memref<2x19x8x128xf32, #tpu.memory_space<vmem>>, vector<16xf32>,
        %exp3A_419 = math.exp %get3A_418 : vector<16xf32>
        %add3A_420 = arith.addf %add3A_384, %exp3A_419 : vector<16xf32>
        %get3A_421 = arith.constant 0 : i32
        %get3A_422 = arith.constant 13 : i32
        %get3A_423 = arith.index_cast %get3A_421 : i32 to index
        %get3A_424 = arith.index_cast %get3A_422 : i32 to index
        %get3A_425 = arith.index_cast %select_n3A_282 : i32 to index
        %get3A_426 = arith.index_cast %mul3A_300 : i32 to index
        %get3A_427 = tpu.vector_load %arg6[%get3A_423, %get3A_424, %get3A_425, %get3A_426] {strides = array<i32>} : memref<2x19x8x128xf32, #tpu.memory_space<vmem>>, vector<16xf32>,
        %exp3A_428 = math.exp %get3A_427 : vector<16xf32>
        %add3A_429 = arith.addf %add3A_393, %exp3A_428 : vector<16xf32>
        %get3A_430 = arith.constant 0 : i32
        %get3A_431 = arith.constant 14 : i32
        %get3A_432 = arith.index_cast %get3A_430 : i32 to index
        %get3A_433 = arith.index_cast %get3A_431 : i32 to index
        %get3A_434 = arith.index_cast %select_n3A_282 : i32 to index
        %get3A_435 = arith.index_cast %mul3A_300 : i32 to index
        %get3A_436 = tpu.vector_load %arg6[%get3A_432, %get3A_433, %get3A_434, %get3A_435] {strides = array<i32>} : memref<2x19x8x128xf32, #tpu.memory_space<vmem>>, vector<16xf32>,
        %exp3A_437 = math.exp %get3A_436 : vector<16xf32>
        %add3A_438 = arith.addf %add3A_402, %exp3A_437 : vector<16xf32>
        %get3A_439 = arith.constant 0 : i32
        %get3A_440 = arith.constant 15 : i32
        %get3A_441 = arith.index_cast %get3A_439 : i32 to index
        %get3A_442 = arith.index_cast %get3A_440 : i32 to index
        %get3A_443 = arith.index_cast %select_n3A_282 : i32 to index
        %get3A_444 = arith.index_cast %mul3A_300 : i32 to index
        %get3A_445 = tpu.vector_load %arg6[%get3A_441, %get3A_442, %get3A_443, %get3A_444] {strides = array<i32>} : memref<2x19x8x128xf32, #tpu.memory_space<vmem>>, vector<16xf32>,
        %exp3A_446 = math.exp %get3A_445 : vector<16xf32>
        %add3A_447 = arith.addf %add3A_411, %exp3A_446 : vector<16xf32>
        %get3A_448 = arith.constant 0 : i32
        %get3A_449 = arith.constant 16 : i32
        %get3A_450 = arith.index_cast %get3A_448 : i32 to index
        %get3A_451 = arith.index_cast %get3A_449 : i32 to index
        %get3A_452 = arith.index_cast %select_n3A_282 : i32 to index
        %get3A_453 = arith.index_cast %mul3A_300 : i32 to index
        %get3A_454 = tpu.vector_load %arg6[%get3A_450, %get3A_451, %get3A_452, %get3A_453] {strides = array<i32>} : memref<2x19x8x128xf32, #tpu.memory_space<vmem>>, vector<16xf32>,
        %exp3A_455 = math.exp %get3A_454 : vector<16xf32>
        %add3A_456 = arith.addf %add3A_420, %exp3A_455 : vector<16xf32>
        %get3A_457 = arith.constant 0 : i32
        %get3A_458 = arith.constant 17 : i32
        %get3A_459 = arith.index_cast %get3A_457 : i32 to index
        %get3A_460 = arith.index_cast %get3A_458 : i32 to index
        %get3A_461 = arith.index_cast %select_n3A_282 : i32 to index
        %get3A_462 = arith.index_cast %mul3A_300 : i32 to index
        %get3A_463 = tpu.vector_load %arg6[%get3A_459, %get3A_460, %get3A_461, %get3A_462] {strides = array<i32>} : memref<2x19x8x128xf32, #tpu.memory_space<vmem>>, vector<16xf32>,
        %exp3A_464 = math.exp %get3A_463 : vector<16xf32>
        %add3A_465 = arith.addf %add3A_429, %exp3A_464 : vector<16xf32>
        %get3A_466 = arith.constant 0 : i32
        %get3A_467 = arith.constant 18 : i32
        %get3A_468 = arith.index_cast %get3A_466 : i32 to index
        %get3A_469 = arith.index_cast %get3A_467 : i32 to index
        %get3A_470 = arith.index_cast %select_n3A_282 : i32 to index
        %get3A_471 = arith.index_cast %mul3A_300 : i32 to index
        %get3A_472 = tpu.vector_load %arg6[%get3A_468, %get3A_469, %get3A_470, %get3A_471] {strides = array<i32>} : memref<2x19x8x128xf32, #tpu.memory_space<vmem>>, vector<16xf32>,
        %exp3A_473 = math.exp %get3A_472 : vector<16xf32>
        %add3A_474 = arith.addf %add3A_438, %exp3A_473 : vector<16xf32>
        %add3A_475 = arith.addf %add3A_456, %add3A_465 : vector<16xf32>
        %add3A_476 = arith.addf %add3A_474, %add3A_447 : vector<16xf32>
        %add3A_477 = arith.addf %add3A_475, %add3A_476 : vector<16xf32>
        %div3A_478 = arith.constant 2.040000e+03 : f32
        %div3A_479 = vector.broadcast %div3A_478 : f32 to vector<16xf32>
        %div3A_480 = arith.divf %div3A_479, %add3A_477 : vector<16xf32>
        %add3A_481 = vector.broadcast %mul3A_300 : i32 to vector<16xi32>
        %add3A_482 = arith.addi %iota3A, %add3A_481 : vector<16xi32>
        %broadcast_in_dim3A_483 = vector.broadcast %select_n3A_282 : i32 to vector<16xi32>
        %gather3A = tpu.vector_load_idx %arg6[%broadcast_in_dim3A_186, %get3A_304, %broadcast_in_dim3A_483, %add3A_482] : memref<2x19x8x128xf32, #tpu.memory_space<vmem>>[vector<16xi32>, vector<16xi32>, vector<16xi32>, vector<16xi32>], vector<16xf32>,
        %exp3A_484 = math.exp %gather3A : vector<16xf32>
        %mul3A_485 = arith.mulf %exp3A, %div3A_480 : vector<16xf32>
        %add3A_486 = arith.constant 0x4B400000 : f32
        %add3A_487 = vector.broadcast %add3A_486 : f32 to vector<16xf32>
        %add3A_488 = arith.addf %mul3A_485, %add3A_487 : vector<16xf32>
        %bitcast3A = vector.bitcast %add3A_488 : vector<16xf32> to vector<16xi32>
        %sub3A_489 = arith.constant 1262485504 : i32
        %sub3A_490 = vector.broadcast %sub3A_489 : i32 to vector<16xi32>
        %sub3A_491 = arith.subi %bitcast3A, %sub3A_490 : vector<16xi32>
        %mul3A_492 = arith.mulf %exp3A_320, %div3A_480 : vector<16xf32>
        %add3A_493 = arith.constant 0x4B400800 : f32
        %add3A_494 = vector.broadcast %add3A_493 : f32 to vector<16xf32>
        %add3A_495 = arith.addf %mul3A_492, %add3A_494 : vector<16xf32>
        %bitcast3A_496 = vector.bitcast %add3A_495 : vector<16xf32> to vector<16xi32>
        %sub3A_497 = arith.constant 1262485504 : i32
        %sub3A_498 = vector.broadcast %sub3A_497 : i32 to vector<16xi32>
        %sub3A_499 = arith.subi %bitcast3A_496, %sub3A_498 : vector<16xi32>
        %mul3A_500 = arith.mulf %exp3A_329, %div3A_480 : vector<16xf32>
        %add3A_501 = arith.constant 0x4B401000 : f32
        %add3A_502 = vector.broadcast %add3A_501 : f32 to vector<16xf32>
        %add3A_503 = arith.addf %mul3A_500, %add3A_502 : vector<16xf32>
        %bitcast3A_504 = vector.bitcast %add3A_503 : vector<16xf32> to vector<16xi32>
        %sub3A_505 = arith.constant 1262485504 : i32
        %sub3A_506 = vector.broadcast %sub3A_505 : i32 to vector<16xi32>
        %sub3A_507 = arith.subi %bitcast3A_504, %sub3A_506 : vector<16xi32>
        %mul3A_508 = arith.mulf %exp3A_338, %div3A_480 : vector<16xf32>
        %add3A_509 = arith.constant 0x4B401800 : f32
        %add3A_510 = vector.broadcast %add3A_509 : f32 to vector<16xf32>
        %add3A_511 = arith.addf %mul3A_508, %add3A_510 : vector<16xf32>
        %bitcast3A_512 = vector.bitcast %add3A_511 : vector<16xf32> to vector<16xi32>
        %sub3A_513 = arith.constant 1262485504 : i32
        %sub3A_514 = vector.broadcast %sub3A_513 : i32 to vector<16xi32>
        %sub3A_515 = arith.subi %bitcast3A_512, %sub3A_514 : vector<16xi32>
        %mul3A_516 = arith.mulf %exp3A_347, %div3A_480 : vector<16xf32>
        %add3A_517 = arith.constant 0x4B402000 : f32
        %add3A_518 = vector.broadcast %add3A_517 : f32 to vector<16xf32>
        %add3A_519 = arith.addf %mul3A_516, %add3A_518 : vector<16xf32>
        %bitcast3A_520 = vector.bitcast %add3A_519 : vector<16xf32> to vector<16xi32>
        %sub3A_521 = arith.constant 1262485504 : i32
        %sub3A_522 = vector.broadcast %sub3A_521 : i32 to vector<16xi32>
        %sub3A_523 = arith.subi %bitcast3A_520, %sub3A_522 : vector<16xi32>
        %mul3A_524 = arith.mulf %exp3A_356, %div3A_480 : vector<16xf32>
        %add3A_525 = arith.constant 0x4B402800 : f32
        %add3A_526 = vector.broadcast %add3A_525 : f32 to vector<16xf32>
        %add3A_527 = arith.addf %mul3A_524, %add3A_526 : vector<16xf32>
        %bitcast3A_528 = vector.bitcast %add3A_527 : vector<16xf32> to vector<16xi32>
        %sub3A_529 = arith.constant 1262485504 : i32
        %sub3A_530 = vector.broadcast %sub3A_529 : i32 to vector<16xi32>
        %sub3A_531 = arith.subi %bitcast3A_528, %sub3A_530 : vector<16xi32>
        %mul3A_532 = arith.mulf %exp3A_365, %div3A_480 : vector<16xf32>
        %add3A_533 = arith.constant 1.259520e+07 : f32
        %add3A_534 = vector.broadcast %add3A_533 : f32 to vector<16xf32>
        %add3A_535 = arith.addf %mul3A_532, %add3A_534 : vector<16xf32>
        %bitcast3A_536 = vector.bitcast %add3A_535 : vector<16xf32> to vector<16xi32>
        %sub3A_537 = arith.constant 1262485504 : i32
        %sub3A_538 = vector.broadcast %sub3A_537 : i32 to vector<16xi32>
        %sub3A_539 = arith.subi %bitcast3A_536, %sub3A_538 : vector<16xi32>
        %mul3A_540 = arith.mulf %exp3A_374, %div3A_480 : vector<16xf32>
        %add3A_541 = arith.constant 0x4B403800 : f32
        %add3A_542 = vector.broadcast %add3A_541 : f32 to vector<16xf32>
        %add3A_543 = arith.addf %mul3A_540, %add3A_542 : vector<16xf32>
        %bitcast3A_544 = vector.bitcast %add3A_543 : vector<16xf32> to vector<16xi32>
        %sub3A_545 = arith.constant 1262485504 : i32
        %sub3A_546 = vector.broadcast %sub3A_545 : i32 to vector<16xi32>
        %sub3A_547 = arith.subi %bitcast3A_544, %sub3A_546 : vector<16xi32>
        %mul3A_548 = arith.mulf %exp3A_383, %div3A_480 : vector<16xf32>
        %add3A_549 = arith.constant 0x4B404000 : f32
        %add3A_550 = vector.broadcast %add3A_549 : f32 to vector<16xf32>
        %add3A_551 = arith.addf %mul3A_548, %add3A_550 : vector<16xf32>
        %bitcast3A_552 = vector.bitcast %add3A_551 : vector<16xf32> to vector<16xi32>
        %sub3A_553 = arith.constant 1262485504 : i32
        %sub3A_554 = vector.broadcast %sub3A_553 : i32 to vector<16xi32>
        %sub3A_555 = arith.subi %bitcast3A_552, %sub3A_554 : vector<16xi32>
        %mul3A_556 = arith.mulf %exp3A_392, %div3A_480 : vector<16xf32>
        %add3A_557 = arith.constant 0x4B404800 : f32
        %add3A_558 = vector.broadcast %add3A_557 : f32 to vector<16xf32>
        %add3A_559 = arith.addf %mul3A_556, %add3A_558 : vector<16xf32>
        %bitcast3A_560 = vector.bitcast %add3A_559 : vector<16xf32> to vector<16xi32>
        %sub3A_561 = arith.constant 1262485504 : i32
        %sub3A_562 = vector.broadcast %sub3A_561 : i32 to vector<16xi32>
        %sub3A_563 = arith.subi %bitcast3A_560, %sub3A_562 : vector<16xi32>
        %mul3A_564 = arith.mulf %exp3A_401, %div3A_480 : vector<16xf32>
        %add3A_565 = arith.constant 0x4B405000 : f32
        %add3A_566 = vector.broadcast %add3A_565 : f32 to vector<16xf32>
        %add3A_567 = arith.addf %mul3A_564, %add3A_566 : vector<16xf32>
        %bitcast3A_568 = vector.bitcast %add3A_567 : vector<16xf32> to vector<16xi32>
        %sub3A_569 = arith.constant 1262485504 : i32
        %sub3A_570 = vector.broadcast %sub3A_569 : i32 to vector<16xi32>
        %sub3A_571 = arith.subi %bitcast3A_568, %sub3A_570 : vector<16xi32>
        %mul3A_572 = arith.mulf %exp3A_410, %div3A_480 : vector<16xf32>
        %add3A_573 = arith.constant 0x4B405800 : f32
        %add3A_574 = vector.broadcast %add3A_573 : f32 to vector<16xf32>
        %add3A_575 = arith.addf %mul3A_572, %add3A_574 : vector<16xf32>
        %bitcast3A_576 = vector.bitcast %add3A_575 : vector<16xf32> to vector<16xi32>
        %sub3A_577 = arith.constant 1262485504 : i32
        %sub3A_578 = vector.broadcast %sub3A_577 : i32 to vector<16xi32>
        %sub3A_579 = arith.subi %bitcast3A_576, %sub3A_578 : vector<16xi32>
        %mul3A_580 = arith.mulf %exp3A_419, %div3A_480 : vector<16xf32>
        %add3A_581 = arith.constant 0x4B406000 : f32
        %add3A_582 = vector.broadcast %add3A_581 : f32 to vector<16xf32>
        %add3A_583 = arith.addf %mul3A_580, %add3A_582 : vector<16xf32>
        %bitcast3A_584 = vector.bitcast %add3A_583 : vector<16xf32> to vector<16xi32>
        %sub3A_585 = arith.constant 1262485504 : i32
        %sub3A_586 = vector.broadcast %sub3A_585 : i32 to vector<16xi32>
        %sub3A_587 = arith.subi %bitcast3A_584, %sub3A_586 : vector<16xi32>
        %mul3A_588 = arith.mulf %exp3A_428, %div3A_480 : vector<16xf32>
        %add3A_589 = arith.constant 0x4B406800 : f32
        %add3A_590 = vector.broadcast %add3A_589 : f32 to vector<16xf32>
        %add3A_591 = arith.addf %mul3A_588, %add3A_590 : vector<16xf32>
        %bitcast3A_592 = vector.bitcast %add3A_591 : vector<16xf32> to vector<16xi32>
        %sub3A_593 = arith.constant 1262485504 : i32
        %sub3A_594 = vector.broadcast %sub3A_593 : i32 to vector<16xi32>
        %sub3A_595 = arith.subi %bitcast3A_592, %sub3A_594 : vector<16xi32>
        %mul3A_596 = arith.mulf %exp3A_437, %div3A_480 : vector<16xf32>
        %add3A_597 = arith.constant 0x4B407000 : f32
        %add3A_598 = vector.broadcast %add3A_597 : f32 to vector<16xf32>
        %add3A_599 = arith.addf %mul3A_596, %add3A_598 : vector<16xf32>
        %bitcast3A_600 = vector.bitcast %add3A_599 : vector<16xf32> to vector<16xi32>
        %sub3A_601 = arith.constant 1262485504 : i32
        %sub3A_602 = vector.broadcast %sub3A_601 : i32 to vector<16xi32>
        %sub3A_603 = arith.subi %bitcast3A_600, %sub3A_602 : vector<16xi32>
        %mul3A_604 = arith.mulf %exp3A_446, %div3A_480 : vector<16xf32>
        %add3A_605 = arith.constant 0x4B407800 : f32
        %add3A_606 = vector.broadcast %add3A_605 : f32 to vector<16xf32>
        %add3A_607 = arith.addf %mul3A_604, %add3A_606 : vector<16xf32>
        %bitcast3A_608 = vector.bitcast %add3A_607 : vector<16xf32> to vector<16xi32>
        %sub3A_609 = arith.constant 1262485504 : i32
        %sub3A_610 = vector.broadcast %sub3A_609 : i32 to vector<16xi32>
        %sub3A_611 = arith.subi %bitcast3A_608, %sub3A_610 : vector<16xi32>
        %mul3A_612 = arith.mulf %exp3A_455, %div3A_480 : vector<16xf32>
        %add3A_613 = arith.constant 0x4B408000 : f32
        %add3A_614 = vector.broadcast %add3A_613 : f32 to vector<16xf32>
        %add3A_615 = arith.addf %mul3A_612, %add3A_614 : vector<16xf32>
        %bitcast3A_616 = vector.bitcast %add3A_615 : vector<16xf32> to vector<16xi32>
        %sub3A_617 = arith.constant 1262485504 : i32
        %sub3A_618 = vector.broadcast %sub3A_617 : i32 to vector<16xi32>
        %sub3A_619 = arith.subi %bitcast3A_616, %sub3A_618 : vector<16xi32>
        %mul3A_620 = arith.mulf %exp3A_464, %div3A_480 : vector<16xf32>
        %add3A_621 = arith.constant 0x4B408800 : f32
        %add3A_622 = vector.broadcast %add3A_621 : f32 to vector<16xf32>
        %add3A_623 = arith.addf %mul3A_620, %add3A_622 : vector<16xf32>
        %bitcast3A_624 = vector.bitcast %add3A_623 : vector<16xf32> to vector<16xi32>
        %sub3A_625 = arith.constant 1262485504 : i32
        %sub3A_626 = vector.broadcast %sub3A_625 : i32 to vector<16xi32>
        %sub3A_627 = arith.subi %bitcast3A_624, %sub3A_626 : vector<16xi32>
        %mul3A_628 = arith.mulf %exp3A_473, %div3A_480 : vector<16xf32>
        %add3A_629 = arith.constant 0x4B409000 : f32
        %add3A_630 = vector.broadcast %add3A_629 : f32 to vector<16xf32>
        %add3A_631 = arith.addf %mul3A_628, %add3A_630 : vector<16xf32>
        %bitcast3A_632 = vector.bitcast %add3A_631 : vector<16xf32> to vector<16xi32>
        %sub3A_633 = arith.constant 1262485504 : i32
        %sub3A_634 = vector.broadcast %sub3A_633 : i32 to vector<16xi32>
        %sub3A_635 = arith.subi %bitcast3A_632, %sub3A_634 : vector<16xi32>
        %mul3A_636 = arith.constant 2048 : i32
        %mul3A_637 = vector.broadcast %mul3A_636 : i32 to vector<16xi32>
        %mul3A_638 = arith.muli %get3A_304, %mul3A_637 : vector<16xi32>
        %mul3A_639 = arith.mulf %exp3A_484, %div3A_480 : vector<16xf32>
        %add3A_640 = arith.constant 0x4B400000 : f32
        %add3A_641 = vector.broadcast %add3A_640 : f32 to vector<16xf32>
        %add3A_642 = arith.addf %mul3A_639, %add3A_641 : vector<16xf32>
        %bitcast3A_643 = vector.bitcast %add3A_642 : vector<16xf32> to vector<16xi32>
        %sub3A_644 = arith.constant 1262485504 : i32
        %sub3A_645 = vector.broadcast %sub3A_644 : i32 to vector<16xi32>
        %sub3A_646 = arith.subi %bitcast3A_643, %sub3A_645 : vector<16xi32>
        %add3A_647 = arith.addi %sub3A_646, %mul3A_638 : vector<16xi32>
        %sub3A_648 = arith.subf %add3A_477, %exp3A_484 : vector<16xf32>
        %mul3A_649 = arith.mulf %sub3A_648, %div3A_480 : vector<16xf32>
        %add3A_650 = arith.constant 0x4B400000 : f32
        %add3A_651 = vector.broadcast %add3A_650 : f32 to vector<16xf32>
        %add3A_652 = arith.addf %mul3A_649, %add3A_651 : vector<16xf32>
        %bitcast3A_653 = vector.bitcast %add3A_652 : vector<16xf32> to vector<16xi32>
        %sub3A_654 = arith.constant 1262485504 : i32
        %sub3A_655 = vector.broadcast %sub3A_654 : i32 to vector<16xi32>
        %sub3A_656 = arith.subi %bitcast3A_653, %sub3A_655 : vector<16xi32>
        %add3A_657 = arith.addi %sub3A_656, %mul3A_638 : vector<16xi32>
        tpu.vector_store_idx %arg5[%sub3A_491], %broadcast_in_dim3A_35 {add = true} : memref<77824xf32, #tpu.memory_space<vmem>>[vector<16xi32>], vector<16xf32>,
        tpu.vector_store_idx %arg5[%sub3A_499], %broadcast_in_dim3A_35 {add = true} : memref<77824xf32, #tpu.memory_space<vmem>>[vector<16xi32>], vector<16xf32>,
        tpu.vector_store_idx %arg5[%sub3A_507], %broadcast_in_dim3A_35 {add = true} : memref<77824xf32, #tpu.memory_space<vmem>>[vector<16xi32>], vector<16xf32>,
        tpu.vector_store_idx %arg5[%sub3A_515], %broadcast_in_dim3A_35 {add = true} : memref<77824xf32, #tpu.memory_space<vmem>>[vector<16xi32>], vector<16xf32>,
        tpu.vector_store_idx %arg5[%sub3A_523], %broadcast_in_dim3A_35 {add = true} : memref<77824xf32, #tpu.memory_space<vmem>>[vector<16xi32>], vector<16xf32>,
        tpu.vector_store_idx %arg5[%sub3A_531], %broadcast_in_dim3A_35 {add = true} : memref<77824xf32, #tpu.memory_space<vmem>>[vector<16xi32>], vector<16xf32>,
        tpu.vector_store_idx %arg5[%sub3A_539], %broadcast_in_dim3A_35 {add = true} : memref<77824xf32, #tpu.memory_space<vmem>>[vector<16xi32>], vector<16xf32>,
        tpu.vector_store_idx %arg5[%sub3A_547], %broadcast_in_dim3A_35 {add = true} : memref<77824xf32, #tpu.memory_space<vmem>>[vector<16xi32>], vector<16xf32>,
        tpu.vector_store_idx %arg5[%sub3A_555], %broadcast_in_dim3A_35 {add = true} : memref<77824xf32, #tpu.memory_space<vmem>>[vector<16xi32>], vector<16xf32>,
        tpu.vector_store_idx %arg5[%sub3A_563], %broadcast_in_dim3A_35 {add = true} : memref<77824xf32, #tpu.memory_space<vmem>>[vector<16xi32>], vector<16xf32>,
        tpu.vector_store_idx %arg5[%sub3A_571], %broadcast_in_dim3A_35 {add = true} : memref<77824xf32, #tpu.memory_space<vmem>>[vector<16xi32>], vector<16xf32>,
        tpu.vector_store_idx %arg5[%sub3A_579], %broadcast_in_dim3A_35 {add = true} : memref<77824xf32, #tpu.memory_space<vmem>>[vector<16xi32>], vector<16xf32>,
        tpu.vector_store_idx %arg5[%sub3A_587], %broadcast_in_dim3A_35 {add = true} : memref<77824xf32, #tpu.memory_space<vmem>>[vector<16xi32>], vector<16xf32>,
        tpu.vector_store_idx %arg5[%sub3A_595], %broadcast_in_dim3A_35 {add = true} : memref<77824xf32, #tpu.memory_space<vmem>>[vector<16xi32>], vector<16xf32>,
        tpu.vector_store_idx %arg5[%sub3A_603], %broadcast_in_dim3A_35 {add = true} : memref<77824xf32, #tpu.memory_space<vmem>>[vector<16xi32>], vector<16xf32>,
        tpu.vector_store_idx %arg5[%sub3A_611], %broadcast_in_dim3A_35 {add = true} : memref<77824xf32, #tpu.memory_space<vmem>>[vector<16xi32>], vector<16xf32>,
        tpu.vector_store_idx %arg5[%sub3A_619], %broadcast_in_dim3A_35 {add = true} : memref<77824xf32, #tpu.memory_space<vmem>>[vector<16xi32>], vector<16xf32>,
        tpu.vector_store_idx %arg5[%sub3A_627], %broadcast_in_dim3A_35 {add = true} : memref<77824xf32, #tpu.memory_space<vmem>>[vector<16xi32>], vector<16xf32>,
        tpu.vector_store_idx %arg5[%sub3A_635], %broadcast_in_dim3A_35 {add = true} : memref<77824xf32, #tpu.memory_space<vmem>>[vector<16xi32>], vector<16xf32>,
        tpu.vector_store_idx %arg5[%add3A_647], %broadcast_in_dim3A_42 {add = true} : memref<77824xf32, #tpu.memory_space<vmem>>[vector<16xi32>], vector<16xf32>,
        tpu.vector_store_idx %arg5[%add3A_657], %broadcast_in_dim3A_35 {add = true} : memref<77824xf32, #tpu.memory_space<vmem>>[vector<16xi32>], vector<16xf32>,
        %add3A_658 = arith.constant 38912 : i32
        %add3A_659 = vector.broadcast %add3A_658 : i32 to vector<16xi32>
        %add3A_660 = arith.addi %add3A_657, %add3A_659 : vector<16xi32>
        tpu.vector_store_idx %arg5[%add3A_660], %broadcast_in_dim3A_35 {add = true} : memref<77824xf32, #tpu.memory_space<vmem>>[vector<16xi32>], vector<16xf32>,
      }
      %scan3A_192 = arith.constant 64 : i32
      %mul3A_193 = arith.constant 2 : i32
      %mul3A_194 = arith.muli %scan3A_130, %mul3A_193 : i32
      %add3A_195 = arith.constant 1 : i32
      %add3A_196 = arith.addi %mul3A_194, %add3A_195 : i32
      %dma_wait3A_197 = arith.constant 0 : i32
      %dma_wait3A_198 = arith.constant 1 : i32
      %dma_wait3A_199 = arith.constant 1 : i32
      %dma_wait3A_200 = arith.constant 0 : i32
      %dma_wait3A_201 = arith.constant 0 : i32
      %dma_wait3A_202 = arith.constant 0 : i32
      %dma_wait3A_203 = tpu.memref_slice %arg6[%dma_wait3A_198, %dma_wait3A_200, %dma_wait3A_201, %dma_wait3A_202] : memref<2x19x8x128xf32, #tpu.memory_space<vmem>> -> memref<1x19x8x128xf32, #tpu.memory_space<vmem>>
      %dma_wait3A_204 = tpu.memref_squeeze %dma_wait3A_203 : memref<1x19x8x128xf32, #tpu.memory_space<vmem>> -> memref<19x8x128xf32, #tpu.memory_space<vmem>>
      %dma_wait3A_205 = arith.constant 0 : i32
      %dma_wait3A_206 = arith.constant 0 : i32
      %dma_wait3A_207 = arith.constant 0 : i32
      %dma_wait3A_208 = tpu.memref_slice %arg2[%dma_wait3A_197, %dma_wait3A_205, %dma_wait3A_206, %dma_wait3A_207] : memref<4x19x512x512xf32, #tpu.memory_space<hbm>> -> memref<1x19x8x128xf32, #tpu.memory_space<hbm>>
      %dma_wait3A_209 = tpu.memref_squeeze %dma_wait3A_208 : memref<1x19x8x128xf32, #tpu.memory_space<hbm>> -> memref<19x8x128xf32, #tpu.memory_space<hbm>>
      %dma_wait3A_210 = tpu.memref_slice %arg8[%dma_wait3A_199] : memref<2x!tpu.dma_semaphore, #tpu.memory_space<semaphore_mem>> -> memref<1x!tpu.dma_semaphore, #tpu.memory_space<semaphore_mem>>
      %dma_wait3A_211 = tpu.memref_squeeze %dma_wait3A_210 : memref<1x!tpu.dma_semaphore, #tpu.memory_space<semaphore_mem>> -> memref<!tpu.dma_semaphore, #tpu.memory_space<semaphore_mem>>
      %dma_wait3A_212 = arith.constant 0 : i32
      %dma_wait3A_213 = arith.constant 0 : i32
      %dma_wait3A_214 = arith.constant 0 : i32
      %dma_wait3A_215 = tpu.memref_slice %arg6[%dma_wait3A_198, %dma_wait3A_212, %dma_wait3A_213, %dma_wait3A_214] : memref<2x19x8x128xf32, #tpu.memory_space<vmem>> -> memref<1x19x8x128xf32, #tpu.memory_space<vmem>>
      %dma_wait3A_216 = tpu.memref_squeeze %dma_wait3A_215 : memref<1x19x8x128xf32, #tpu.memory_space<vmem>> -> memref<19x8x128xf32, #tpu.memory_space<vmem>>
      %dma_wait3A_217 = arith.constant 0 : i32
      %dma_wait3A_218 = arith.constant 0 : i32
      %dma_wait3A_219 = arith.constant 0 : i32
      %dma_wait3A_220 = tpu.memref_slice %arg2[%dma_wait3A_197, %dma_wait3A_217, %dma_wait3A_218, %dma_wait3A_219] : memref<4x19x512x512xf32, #tpu.memory_space<hbm>> -> memref<1x19x8x128xf32, #tpu.memory_space<hbm>>
      %dma_wait3A_221 = tpu.memref_squeeze %dma_wait3A_220 : memref<1x19x8x128xf32, #tpu.memory_space<hbm>> -> memref<19x8x128xf32, #tpu.memory_space<hbm>>
      tpu.wait_dma2 semaphore(%dma_wait3A_211 : memref<!tpu.dma_semaphore, #tpu.memory_space<semaphore_mem>>) src(%dma_wait3A_221 : memref<19x8x128xf32, #tpu.memory_space<hbm>>) dst(%dma_wait3A_216 : memref<19x8x128xf32, #tpu.memory_space<vmem>>)
      %dma_wait3A_222 = arith.constant 0 : i32
      %dma_wait3A_223 = arith.constant 1 : i32
      %dma_wait3A_224 = arith.constant 1 : i32
      %dma_wait3A_225 = arith.constant 0 : i32
      %dma_wait3A_226 = arith.constant 0 : i32
      %dma_wait3A_227 = tpu.memref_slice %arg7[%dma_wait3A_223, %dma_wait3A_225, %dma_wait3A_226] : memref<2x8x128xi32, #tpu.memory_space<vmem>> -> memref<1x8x128xi32, #tpu.memory_space<vmem>>
      %dma_wait3A_228 = tpu.memref_squeeze %dma_wait3A_227 : memref<1x8x128xi32, #tpu.memory_space<vmem>> -> memref<8x128xi32, #tpu.memory_space<vmem>>
      %dma_wait3A_229 = arith.constant 0 : i32
      %dma_wait3A_230 = arith.constant 0 : i32
      %dma_wait3A_231 = tpu.memref_slice %arg3[%dma_wait3A_222, %dma_wait3A_229, %dma_wait3A_230] : memref<4x512x512xi32, #tpu.memory_space<hbm>> -> memref<1x8x128xi32, #tpu.memory_space<hbm>>
      %dma_wait3A_232 = tpu.memref_squeeze %dma_wait3A_231 : memref<1x8x128xi32, #tpu.memory_space<hbm>> -> memref<8x128xi32, #tpu.memory_space<hbm>>
      %dma_wait3A_233 = tpu.memref_slice %arg9[%dma_wait3A_224] : memref<2x!tpu.dma_semaphore, #tpu.memory_space<semaphore_mem>> -> memref<1x!tpu.dma_semaphore, #tpu.memory_space<semaphore_mem>>
      %dma_wait3A_234 = tpu.memref_squeeze %dma_wait3A_233 : memref<1x!tpu.dma_semaphore, #tpu.memory_space<semaphore_mem>> -> memref<!tpu.dma_semaphore, #tpu.memory_space<semaphore_mem>>
      %dma_wait3A_235 = arith.constant 0 : i32
      %dma_wait3A_236 = arith.constant 0 : i32
      %dma_wait3A_237 = tpu.memref_slice %arg7[%dma_wait3A_223, %dma_wait3A_235, %dma_wait3A_236] : memref<2x8x128xi32, #tpu.memory_space<vmem>> -> memref<1x8x128xi32, #tpu.memory_space<vmem>>
      %dma_wait3A_238 = tpu.memref_squeeze %dma_wait3A_237 : memref<1x8x128xi32, #tpu.memory_space<vmem>> -> memref<8x128xi32, #tpu.memory_space<vmem>>
      %dma_wait3A_239 = arith.constant 0 : i32
      %dma_wait3A_240 = arith.constant 0 : i32
      %dma_wait3A_241 = tpu.memref_slice %arg3[%dma_wait3A_222, %dma_wait3A_239, %dma_wait3A_240] : memref<4x512x512xi32, #tpu.memory_space<hbm>> -> memref<1x8x128xi32, #tpu.memory_space<hbm>>
      %dma_wait3A_242 = tpu.memref_squeeze %dma_wait3A_241 : memref<1x8x128xi32, #tpu.memory_space<hbm>> -> memref<8x128xi32, #tpu.memory_space<hbm>>
      tpu.wait_dma2 semaphore(%dma_wait3A_234 : memref<!tpu.dma_semaphore, #tpu.memory_space<semaphore_mem>>) src(%dma_wait3A_242 : memref<8x128xi32, #tpu.memory_space<hbm>>) dst(%dma_wait3A_238 : memref<8x128xi32, #tpu.memory_space<vmem>>)
      %add3A_243 = arith.constant 1 : i32
      %add3A_244 = arith.addi %add3A_196, %add3A_243 : i32
      %lt3A_245 = arith.constant 32 : i32
      %lt3A_246 = arith.cmpi slt, %add3A_244, %lt3A_245 : i32
      %convert_element_type3A_247 = arith.extui %lt3A_246 : i1 to i32
      %cond3A_248 = arith.constant 0 : i32
      %cond3A_249 = arith.cmpi ne, %convert_element_type3A_247, %cond3A_248 : i32
      scf.if %cond3A_249 {
        %add3A_258 = arith.addi %mul3A_32, %add3A_244 : i32
        %jit3A_259 = arith.constant 4 : i32
        %div3A_260 = arith.divsi %add3A_258, %jit3A_259 : i32
        %sign3A_261 = arith.constant 0 : i32
        %sign3A_262 = arith.cmpi sgt, %add3A_258, %sign3A_261 : i32
        %sign3A_263 = arith.extui %sign3A_262 : i1 to i32
        %sign3A_264 = arith.constant 0 : i32
        %sign3A_265 = arith.cmpi slt, %add3A_258, %sign3A_264 : i32
        %sign3A_266 = arith.extui %sign3A_265 : i1 to i32
        %sign3A_267 = arith.subi %sign3A_263, %sign3A_266 : i32
        %sign3A_268 = arith.constant 0 : i32
        %sign3A_269 = arith.cmpi sgt, %jit3A_259, %sign3A_268 : i32
        %sign3A_270 = arith.extui %sign3A_269 : i1 to i32
        %sign3A_271 = arith.constant 0 : i32
        %sign3A_272 = arith.cmpi slt, %jit3A_259, %sign3A_271 : i32
        %sign3A_273 = arith.extui %sign3A_272 : i1 to i32
        %sign3A_274 = arith.subi %sign3A_270, %sign3A_273 : i32
        %ne3A_275 = arith.cmpi ne, %sign3A_267, %sign3A_274 : i32
        %rem3A_276 = arith.remsi %add3A_258, %jit3A_259 : i32
        %ne3A_277 = arith.constant 0 : i32
        %ne3A_278 = arith.cmpi ne, %rem3A_276, %ne3A_277 : i32
        %and3A_279 = arith.andi %ne3A_275, %ne3A_278 : i1
        %sub3A_280 = arith.constant 1 : i32
        %sub3A_281 = arith.subi %div3A_260, %sub3A_280 : i32
        %select_n3A_282 = arith.select %and3A_279, %sub3A_281, %div3A_260 : i32
        %mul3A_283 = arith.constant 8 : i32
        %mul3A_284 = arith.muli %select_n3A_282, %mul3A_283 : i32
        %jit3A_285 = arith.constant 4 : i32
        %eq3A_286 = arith.constant 0 : i32
        %eq3A_287 = arith.cmpi eq, %jit3A_285, %eq3A_286 : i32
        %jit3A_288 = arith.constant 1 : i32
        %select_n3A_289 = arith.select %eq3A_287, %jit3A_288, %jit3A_285 : i32
        %rem3A_290 = arith.remsi %add3A_258, %select_n3A_289 : i32
        %ne3A_291 = arith.constant 0 : i32
        %ne3A_292 = arith.cmpi ne, %rem3A_290, %ne3A_291 : i32
        %lt3A_293 = arith.constant 0 : i32
        %lt3A_294 = arith.cmpi slt, %rem3A_290, %lt3A_293 : i32
        %lt3A_295 = arith.constant 0 : i32
        %lt3A_296 = arith.cmpi slt, %select_n3A_289, %lt3A_295 : i32
        %ne3A_297 = arith.xori %lt3A_294, %lt3A_296 : i1
        %and3A_298 = arith.andi %ne3A_297, %ne3A_292 : i1
        %add3A_299 = arith.addi %rem3A_290, %select_n3A_289 : i32
        %select_n3A_300 = arith.select %and3A_298, %add3A_299, %rem3A_290 : i32
        %mul3A_301 = arith.constant 128 : i32
        %mul3A_302 = arith.muli %select_n3A_300, %mul3A_301 : i32
        %dma_start3A_303 = arith.constant 0 : i32
        %dma_start3A_304 = arith.constant 0 : i32
        %dma_start3A_305 = arith.constant 0 : i32
        %dma_start3A_306 = arith.constant 0 : i32
        %dma_start3A_307 = arith.constant 0 : i32
        %dma_start3A_308 = tpu.memref_slice %arg6[%dma_start3A_303, %dma_start3A_305, %dma_start3A_306, %dma_start3A_307] : memref<2x19x8x128xf32, #tpu.memory_space<vmem>> -> memref<1x19x8x128xf32, #tpu.memory_space<vmem>>
        %dma_start3A_309 = tpu.memref_squeeze %dma_start3A_308 : memref<1x19x8x128xf32, #tpu.memory_space<vmem>> -> memref<19x8x128xf32, #tpu.memory_space<vmem>>
        %dma_start3A_310 = arith.constant 0 : i32
        %dma_start3A_311 = tpu.memref_slice %arg2[%select_n3A, %dma_start3A_310, %mul3A_284, %mul3A_302] : memref<4x19x512x512xf32, #tpu.memory_space<hbm>> -> memref<1x19x8x128xf32, #tpu.memory_space<hbm>>
        %dma_start3A_312 = tpu.memref_squeeze %dma_start3A_311 : memref<1x19x8x128xf32, #tpu.memory_space<hbm>> -> memref<19x8x128xf32, #tpu.memory_space<hbm>>
        %dma_start3A_313 = tpu.memref_slice %arg8[%dma_start3A_304] : memref<2x!tpu.dma_semaphore, #tpu.memory_space<semaphore_mem>> -> memref<1x!tpu.dma_semaphore, #tpu.memory_space<semaphore_mem>>
        %dma_start3A_314 = tpu.memref_squeeze %dma_start3A_313 : memref<1x!tpu.dma_semaphore, #tpu.memory_space<semaphore_mem>> -> memref<!tpu.dma_semaphore, #tpu.memory_space<semaphore_mem>>
        %dma_start3A_315 = arith.constant 0 : i32
        %dma_start3A_316 = arith.constant 0 : i32
        %dma_start3A_317 = arith.constant 0 : i32
        %dma_start3A_318 = tpu.memref_slice %arg6[%dma_start3A_303, %dma_start3A_315, %dma_start3A_316, %dma_start3A_317] : memref<2x19x8x128xf32, #tpu.memory_space<vmem>> -> memref<1x19x8x128xf32, #tpu.memory_space<vmem>>
        %dma_start3A_319 = tpu.memref_squeeze %dma_start3A_318 : memref<1x19x8x128xf32, #tpu.memory_space<vmem>> -> memref<19x8x128xf32, #tpu.memory_space<vmem>>
        %dma_start3A_320 = arith.constant 0 : i32
        %dma_start3A_321 = tpu.memref_slice %arg2[%select_n3A, %dma_start3A_320, %mul3A_284, %mul3A_302] : memref<4x19x512x512xf32, #tpu.memory_space<hbm>> -> memref<1x19x8x128xf32, #tpu.memory_space<hbm>>
        %dma_start3A_322 = tpu.memref_squeeze %dma_start3A_321 : memref<1x19x8x128xf32, #tpu.memory_space<hbm>> -> memref<19x8x128xf32, #tpu.memory_space<hbm>>
        tpu.enqueue_dma source(%dma_start3A_322 : memref<19x8x128xf32, #tpu.memory_space<hbm>>) target(%dma_start3A_319 : memref<19x8x128xf32, #tpu.memory_space<vmem>>) target_semaphore(%dma_start3A_314 : memref<!tpu.dma_semaphore, #tpu.memory_space<semaphore_mem>>)
        %dma_start3A_323 = arith.constant 0 : i32
        %dma_start3A_324 = arith.constant 0 : i32
        %dma_start3A_325 = arith.constant 0 : i32
        %dma_start3A_326 = arith.constant 0 : i32
        %dma_start3A_327 = tpu.memref_slice %arg7[%dma_start3A_323, %dma_start3A_325, %dma_start3A_326] : memref<2x8x128xi32, #tpu.memory_space<vmem>> -> memref<1x8x128xi32, #tpu.memory_space<vmem>>
        %dma_start3A_328 = tpu.memref_squeeze %dma_start3A_327 : memref<1x8x128xi32, #tpu.memory_space<vmem>> -> memref<8x128xi32, #tpu.memory_space<vmem>>
        %dma_start3A_329 = tpu.memref_slice %arg3[%select_n3A, %mul3A_284, %mul3A_302] : memref<4x512x512xi32, #tpu.memory_space<hbm>> -> memref<1x8x128xi32, #tpu.memory_space<hbm>>
        %dma_start3A_330 = tpu.memref_squeeze %dma_start3A_329 : memref<1x8x128xi32, #tpu.memory_space<hbm>> -> memref<8x128xi32, #tpu.memory_space<hbm>>
        %dma_start3A_331 = tpu.memref_slice %arg9[%dma_start3A_324] : memref<2x!tpu.dma_semaphore, #tpu.memory_space<semaphore_mem>> -> memref<1x!tpu.dma_semaphore, #tpu.memory_space<semaphore_mem>>
        %dma_start3A_332 = tpu.memref_squeeze %dma_start3A_331 : memref<1x!tpu.dma_semaphore, #tpu.memory_space<semaphore_mem>> -> memref<!tpu.dma_semaphore, #tpu.memory_space<semaphore_mem>>
        %dma_start3A_333 = arith.constant 0 : i32
        %dma_start3A_334 = arith.constant 0 : i32
        %dma_start3A_335 = tpu.memref_slice %arg7[%dma_start3A_323, %dma_start3A_333, %dma_start3A_334] : memref<2x8x128xi32, #tpu.memory_space<vmem>> -> memref<1x8x128xi32, #tpu.memory_space<vmem>>
        %dma_start3A_336 = tpu.memref_squeeze %dma_start3A_335 : memref<1x8x128xi32, #tpu.memory_space<vmem>> -> memref<8x128xi32, #tpu.memory_space<vmem>>
        %dma_start3A_337 = tpu.memref_slice %arg3[%select_n3A, %mul3A_284, %mul3A_302] : memref<4x512x512xi32, #tpu.memory_space<hbm>> -> memref<1x8x128xi32, #tpu.memory_space<hbm>>
        %dma_start3A_338 = tpu.memref_squeeze %dma_start3A_337 : memref<1x8x128xi32, #tpu.memory_space<hbm>> -> memref<8x128xi32, #tpu.memory_space<hbm>>
        tpu.enqueue_dma source(%dma_start3A_338 : memref<8x128xi32, #tpu.memory_space<hbm>>) target(%dma_start3A_336 : memref<8x128xi32, #tpu.memory_space<vmem>>) target_semaphore(%dma_start3A_332 : memref<!tpu.dma_semaphore, #tpu.memory_space<semaphore_mem>>)
      } else {
      }
      %broadcast_in_dim3A_250 = arith.constant 1 : i32
      %broadcast_in_dim3A_251 = vector.broadcast %broadcast_in_dim3A_250 : i32 to vector<16xi32>
      %scan3A_252 = arith.constant 0 : i32
      %scan3A_253 = arith.constant 0 : i32
      %scan3A_254 = arith.constant 64 : i32
      %scan3A_255 = arith.addi %scan3A_253, %scan3A_254 : i32
      %scan3A_256 = arith.constant 1 : i32
      scf.for %scan3A_258 = %scan3A_253 to %scan3A_255 step %scan3A_256  : i32 {
        %jit3A_259 = arith.constant 8 : i32
        %div3A_260 = arith.divsi %scan3A_258, %jit3A_259 : i32
        %sign3A_261 = arith.constant 0 : i32
        %sign3A_262 = arith.cmpi sgt, %scan3A_258, %sign3A_261 : i32
        %sign3A_263 = arith.extui %sign3A_262 : i1 to i32
        %sign3A_264 = arith.constant 0 : i32
        %sign3A_265 = arith.cmpi slt, %scan3A_258, %sign3A_264 : i32
        %sign3A_266 = arith.extui %sign3A_265 : i1 to i32
        %sign3A_267 = arith.subi %sign3A_263, %sign3A_266 : i32
        %sign3A_268 = arith.constant 0 : i32
        %sign3A_269 = arith.cmpi sgt, %jit3A_259, %sign3A_268 : i32
        %sign3A_270 = arith.extui %sign3A_269 : i1 to i32
        %sign3A_271 = arith.constant 0 : i32
        %sign3A_272 = arith.cmpi slt, %jit3A_259, %sign3A_271 : i32
        %sign3A_273 = arith.extui %sign3A_272 : i1 to i32
        %sign3A_274 = arith.subi %sign3A_270, %sign3A_273 : i32
        %ne3A_275 = arith.cmpi ne, %sign3A_267, %sign3A_274 : i32
        %rem3A_276 = arith.remsi %scan3A_258, %jit3A_259 : i32
        %ne3A_277 = arith.constant 0 : i32
        %ne3A_278 = arith.cmpi ne, %rem3A_276, %ne3A_277 : i32
        %and3A_279 = arith.andi %ne3A_275, %ne3A_278 : i1
        %sub3A_280 = arith.constant 1 : i32
        %sub3A_281 = arith.subi %div3A_260, %sub3A_280 : i32
        %select_n3A_282 = arith.select %and3A_279, %sub3A_281, %div3A_260 : i32
        %jit3A_283 = arith.constant 8 : i32
        %eq3A_284 = arith.constant 0 : i32
        %eq3A_285 = arith.cmpi eq, %jit3A_283, %eq3A_284 : i32
        %jit3A_286 = arith.constant 1 : i32
        %select_n3A_287 = arith.select %eq3A_285, %jit3A_286, %jit3A_283 : i32
        %rem3A_288 = arith.remsi %scan3A_258, %select_n3A_287 : i32
        %ne3A_289 = arith.constant 0 : i32
        %ne3A_290 = arith.cmpi ne, %rem3A_288, %ne3A_289 : i32
        %lt3A_291 = arith.constant 0 : i32
        %lt3A_292 = arith.cmpi slt, %rem3A_288, %lt3A_291 : i32
        %lt3A_293 = arith.constant 0 : i32
        %lt3A_294 = arith.cmpi slt, %select_n3A_287, %lt3A_293 : i32
        %ne3A_295 = arith.xori %lt3A_292, %lt3A_294 : i1
        %and3A_296 = arith.andi %ne3A_295, %ne3A_290 : i1
        %add3A_297 = arith.addi %rem3A_288, %select_n3A_287 : i32
        %select_n3A_298 = arith.select %and3A_296, %add3A_297, %rem3A_288 : i32
        %mul3A_299 = arith.constant 16 : i32
        %mul3A_300 = arith.muli %select_n3A_298, %mul3A_299 : i32
        %get3A = arith.constant 1 : i32
        %get3A_301 = arith.index_cast %get3A : i32 to index
        %get3A_302 = arith.index_cast %select_n3A_282 : i32 to index
        %get3A_303 = arith.index_cast %mul3A_300 : i32 to index
        %get3A_304 = tpu.vector_load %arg7[%get3A_301, %get3A_302, %get3A_303] {strides = array<i32>} : memref<2x8x128xi32, #tpu.memory_space<vmem>>, vector<16xi32>,
        %get3A_305 = arith.constant 1 : i32
        %get3A_306 = arith.constant 0 : i32
        %get3A_307 = arith.index_cast %get3A_305 : i32 to index
        %get3A_308 = arith.index_cast %get3A_306 : i32 to index
        %get3A_309 = arith.index_cast %select_n3A_282 : i32 to index
        %get3A_310 = arith.index_cast %mul3A_300 : i32 to index
        %get3A_311 = tpu.vector_load %arg6[%get3A_307, %get3A_308, %get3A_309, %get3A_310] {strides = array<i32>} : memref<2x19x8x128xf32, #tpu.memory_space<vmem>>, vector<16xf32>,
        %exp3A = math.exp %get3A_311 : vector<16xf32>
        %add3A_312 = arith.addf %broadcast_in_dim3A_33, %exp3A : vector<16xf32>
        %get3A_313 = arith.constant 1 : i32
        %get3A_314 = arith.constant 1 : i32
        %get3A_315 = arith.index_cast %get3A_313 : i32 to index
        %get3A_316 = arith.index_cast %get3A_314 : i32 to index
        %get3A_317 = arith.index_cast %select_n3A_282 : i32 to index
        %get3A_318 = arith.index_cast %mul3A_300 : i32 to index
        %get3A_319 = tpu.vector_load %arg6[%get3A_315, %get3A_316, %get3A_317, %get3A_318] {strides = array<i32>} : memref<2x19x8x128xf32, #tpu.memory_space<vmem>>, vector<16xf32>,
        %exp3A_320 = math.exp %get3A_319 : vector<16xf32>
        %add3A_321 = arith.addf %broadcast_in_dim3A_33, %exp3A_320 : vector<16xf32>
        %get3A_322 = arith.constant 1 : i32
        %get3A_323 = arith.constant 2 : i32
        %get3A_324 = arith.index_cast %get3A_322 : i32 to index
        %get3A_325 = arith.index_cast %get3A_323 : i32 to index
        %get3A_326 = arith.index_cast %select_n3A_282 : i32 to index
        %get3A_327 = arith.index_cast %mul3A_300 : i32 to index
        %get3A_328 = tpu.vector_load %arg6[%get3A_324, %get3A_325, %get3A_326, %get3A_327] {strides = array<i32>} : memref<2x19x8x128xf32, #tpu.memory_space<vmem>>, vector<16xf32>,
        %exp3A_329 = math.exp %get3A_328 : vector<16xf32>
        %add3A_330 = arith.addf %broadcast_in_dim3A_33, %exp3A_329 : vector<16xf32>
        %get3A_331 = arith.constant 1 : i32
        %get3A_332 = arith.constant 3 : i32
        %get3A_333 = arith.index_cast %get3A_331 : i32 to index
        %get3A_334 = arith.index_cast %get3A_332 : i32 to index
        %get3A_335 = arith.index_cast %select_n3A_282 : i32 to index
        %get3A_336 = arith.index_cast %mul3A_300 : i32 to index
        %get3A_337 = tpu.vector_load %arg6[%get3A_333, %get3A_334, %get3A_335, %get3A_336] {strides = array<i32>} : memref<2x19x8x128xf32, #tpu.memory_space<vmem>>, vector<16xf32>,
        %exp3A_338 = math.exp %get3A_337 : vector<16xf32>
        %add3A_339 = arith.addf %broadcast_in_dim3A_33, %exp3A_338 : vector<16xf32>
        %get3A_340 = arith.constant 1 : i32
        %get3A_341 = arith.constant 4 : i32
        %get3A_342 = arith.index_cast %get3A_340 : i32 to index
        %get3A_343 = arith.index_cast %get3A_341 : i32 to index
        %get3A_344 = arith.index_cast %select_n3A_282 : i32 to index
        %get3A_345 = arith.index_cast %mul3A_300 : i32 to index
        %get3A_346 = tpu.vector_load %arg6[%get3A_342, %get3A_343, %get3A_344, %get3A_345] {strides = array<i32>} : memref<2x19x8x128xf32, #tpu.memory_space<vmem>>, vector<16xf32>,
        %exp3A_347 = math.exp %get3A_346 : vector<16xf32>
        %add3A_348 = arith.addf %add3A_312, %exp3A_347 : vector<16xf32>
        %get3A_349 = arith.constant 1 : i32
        %get3A_350 = arith.constant 5 : i32
        %get3A_351 = arith.index_cast %get3A_349 : i32 to index
        %get3A_352 = arith.index_cast %get3A_350 : i32 to index
        %get3A_353 = arith.index_cast %select_n3A_282 : i32 to index
        %get3A_354 = arith.index_cast %mul3A_300 : i32 to index
        %get3A_355 = tpu.vector_load %arg6[%get3A_351, %get3A_352, %get3A_353, %get3A_354] {strides = array<i32>} : memref<2x19x8x128xf32, #tpu.memory_space<vmem>>, vector<16xf32>,
        %exp3A_356 = math.exp %get3A_355 : vector<16xf32>
        %add3A_357 = arith.addf %add3A_321, %exp3A_356 : vector<16xf32>
        %get3A_358 = arith.constant 1 : i32
        %get3A_359 = arith.constant 6 : i32
        %get3A_360 = arith.index_cast %get3A_358 : i32 to index
        %get3A_361 = arith.index_cast %get3A_359 : i32 to index
        %get3A_362 = arith.index_cast %select_n3A_282 : i32 to index
        %get3A_363 = arith.index_cast %mul3A_300 : i32 to index
        %get3A_364 = tpu.vector_load %arg6[%get3A_360, %get3A_361, %get3A_362, %get3A_363] {strides = array<i32>} : memref<2x19x8x128xf32, #tpu.memory_space<vmem>>, vector<16xf32>,
        %exp3A_365 = math.exp %get3A_364 : vector<16xf32>
        %add3A_366 = arith.addf %add3A_330, %exp3A_365 : vector<16xf32>
        %get3A_367 = arith.constant 1 : i32
        %get3A_368 = arith.constant 7 : i32
        %get3A_369 = arith.index_cast %get3A_367 : i32 to index
        %get3A_370 = arith.index_cast %get3A_368 : i32 to index
        %get3A_371 = arith.index_cast %select_n3A_282 : i32 to index
        %get3A_372 = arith.index_cast %mul3A_300 : i32 to index
        %get3A_373 = tpu.vector_load %arg6[%get3A_369, %get3A_370, %get3A_371, %get3A_372] {strides = array<i32>} : memref<2x19x8x128xf32, #tpu.memory_space<vmem>>, vector<16xf32>,
        %exp3A_374 = math.exp %get3A_373 : vector<16xf32>
        %add3A_375 = arith.addf %add3A_339, %exp3A_374 : vector<16xf32>
        %get3A_376 = arith.constant 1 : i32
        %get3A_377 = arith.constant 8 : i32
        %get3A_378 = arith.index_cast %get3A_376 : i32 to index
        %get3A_379 = arith.index_cast %get3A_377 : i32 to index
        %get3A_380 = arith.index_cast %select_n3A_282 : i32 to index
        %get3A_381 = arith.index_cast %mul3A_300 : i32 to index
        %get3A_382 = tpu.vector_load %arg6[%get3A_378, %get3A_379, %get3A_380, %get3A_381] {strides = array<i32>} : memref<2x19x8x128xf32, #tpu.memory_space<vmem>>, vector<16xf32>,
        %exp3A_383 = math.exp %get3A_382 : vector<16xf32>
        %add3A_384 = arith.addf %add3A_348, %exp3A_383 : vector<16xf32>
        %get3A_385 = arith.constant 1 : i32
        %get3A_386 = arith.constant 9 : i32
        %get3A_387 = arith.index_cast %get3A_385 : i32 to index
        %get3A_388 = arith.index_cast %get3A_386 : i32 to index
        %get3A_389 = arith.index_cast %select_n3A_282 : i32 to index
        %get3A_390 = arith.index_cast %mul3A_300 : i32 to index
        %get3A_391 = tpu.vector_load %arg6[%get3A_387, %get3A_388, %get3A_389, %get3A_390] {strides = array<i32>} : memref<2x19x8x128xf32, #tpu.memory_space<vmem>>, vector<16xf32>,
        %exp3A_392 = math.exp %get3A_391 : vector<16xf32>
        %add3A_393 = arith.addf %add3A_357, %exp3A_392 : vector<16xf32>
        %get3A_394 = arith.constant 1 : i32
        %get3A_395 = arith.constant 10 : i32
        %get3A_396 = arith.index_cast %get3A_394 : i32 to index
        %get3A_397 = arith.index_cast %get3A_395 : i32 to index
        %get3A_398 = arith.index_cast %select_n3A_282 : i32 to index
        %get3A_399 = arith.index_cast %mul3A_300 : i32 to index
        %get3A_400 = tpu.vector_load %arg6[%get3A_396, %get3A_397, %get3A_398, %get3A_399] {strides = array<i32>} : memref<2x19x8x128xf32, #tpu.memory_space<vmem>>, vector<16xf32>,
        %exp3A_401 = math.exp %get3A_400 : vector<16xf32>
        %add3A_402 = arith.addf %add3A_366, %exp3A_401 : vector<16xf32>
        %get3A_403 = arith.constant 1 : i32
        %get3A_404 = arith.constant 11 : i32
        %get3A_405 = arith.index_cast %get3A_403 : i32 to index
        %get3A_406 = arith.index_cast %get3A_404 : i32 to index
        %get3A_407 = arith.index_cast %select_n3A_282 : i32 to index
        %get3A_408 = arith.index_cast %mul3A_300 : i32 to index
        %get3A_409 = tpu.vector_load %arg6[%get3A_405, %get3A_406, %get3A_407, %get3A_408] {strides = array<i32>} : memref<2x19x8x128xf32, #tpu.memory_space<vmem>>, vector<16xf32>,
        %exp3A_410 = math.exp %get3A_409 : vector<16xf32>
        %add3A_411 = arith.addf %add3A_375, %exp3A_410 : vector<16xf32>
        %get3A_412 = arith.constant 1 : i32
        %get3A_413 = arith.constant 12 : i32
        %get3A_414 = arith.index_cast %get3A_412 : i32 to index
        %get3A_415 = arith.index_cast %get3A_413 : i32 to index
        %get3A_416 = arith.index_cast %select_n3A_282 : i32 to index
        %get3A_417 = arith.index_cast %mul3A_300 : i32 to index
        %get3A_418 = tpu.vector_load %arg6[%get3A_414, %get3A_415, %get3A_416, %get3A_417] {strides = array<i32>} : memref<2x19x8x128xf32, #tpu.memory_space<vmem>>, vector<16xf32>,
        %exp3A_419 = math.exp %get3A_418 : vector<16xf32>
        %add3A_420 = arith.addf %add3A_384, %exp3A_419 : vector<16xf32>
        %get3A_421 = arith.constant 1 : i32
        %get3A_422 = arith.constant 13 : i32
        %get3A_423 = arith.index_cast %get3A_421 : i32 to index
        %get3A_424 = arith.index_cast %get3A_422 : i32 to index
        %get3A_425 = arith.index_cast %select_n3A_282 : i32 to index
        %get3A_426 = arith.index_cast %mul3A_300 : i32 to index
        %get3A_427 = tpu.vector_load %arg6[%get3A_423, %get3A_424, %get3A_425, %get3A_426] {strides = array<i32>} : memref<2x19x8x128xf32, #tpu.memory_space<vmem>>, vector<16xf32>,
        %exp3A_428 = math.exp %get3A_427 : vector<16xf32>
        %add3A_429 = arith.addf %add3A_393, %exp3A_428 : vector<16xf32>
        %get3A_430 = arith.constant 1 : i32
        %get3A_431 = arith.constant 14 : i32
        %get3A_432 = arith.index_cast %get3A_430 : i32 to index
        %get3A_433 = arith.index_cast %get3A_431 : i32 to index
        %get3A_434 = arith.index_cast %select_n3A_282 : i32 to index
        %get3A_435 = arith.index_cast %mul3A_300 : i32 to index
        %get3A_436 = tpu.vector_load %arg6[%get3A_432, %get3A_433, %get3A_434, %get3A_435] {strides = array<i32>} : memref<2x19x8x128xf32, #tpu.memory_space<vmem>>, vector<16xf32>,
        %exp3A_437 = math.exp %get3A_436 : vector<16xf32>
        %add3A_438 = arith.addf %add3A_402, %exp3A_437 : vector<16xf32>
        %get3A_439 = arith.constant 1 : i32
        %get3A_440 = arith.constant 15 : i32
        %get3A_441 = arith.index_cast %get3A_439 : i32 to index
        %get3A_442 = arith.index_cast %get3A_440 : i32 to index
        %get3A_443 = arith.index_cast %select_n3A_282 : i32 to index
        %get3A_444 = arith.index_cast %mul3A_300 : i32 to index
        %get3A_445 = tpu.vector_load %arg6[%get3A_441, %get3A_442, %get3A_443, %get3A_444] {strides = array<i32>} : memref<2x19x8x128xf32, #tpu.memory_space<vmem>>, vector<16xf32>,
        %exp3A_446 = math.exp %get3A_445 : vector<16xf32>
        %add3A_447 = arith.addf %add3A_411, %exp3A_446 : vector<16xf32>
        %get3A_448 = arith.constant 1 : i32
        %get3A_449 = arith.constant 16 : i32
        %get3A_450 = arith.index_cast %get3A_448 : i32 to index
        %get3A_451 = arith.index_cast %get3A_449 : i32 to index
        %get3A_452 = arith.index_cast %select_n3A_282 : i32 to index
        %get3A_453 = arith.index_cast %mul3A_300 : i32 to index
        %get3A_454 = tpu.vector_load %arg6[%get3A_450, %get3A_451, %get3A_452, %get3A_453] {strides = array<i32>} : memref<2x19x8x128xf32, #tpu.memory_space<vmem>>, vector<16xf32>,
        %exp3A_455 = math.exp %get3A_454 : vector<16xf32>
        %add3A_456 = arith.addf %add3A_420, %exp3A_455 : vector<16xf32>
        %get3A_457 = arith.constant 1 : i32
        %get3A_458 = arith.constant 17 : i32
        %get3A_459 = arith.index_cast %get3A_457 : i32 to index
        %get3A_460 = arith.index_cast %get3A_458 : i32 to index
        %get3A_461 = arith.index_cast %select_n3A_282 : i32 to index
        %get3A_462 = arith.index_cast %mul3A_300 : i32 to index
        %get3A_463 = tpu.vector_load %arg6[%get3A_459, %get3A_460, %get3A_461, %get3A_462] {strides = array<i32>} : memref<2x19x8x128xf32, #tpu.memory_space<vmem>>, vector<16xf32>,
        %exp3A_464 = math.exp %get3A_463 : vector<16xf32>
        %add3A_465 = arith.addf %add3A_429, %exp3A_464 : vector<16xf32>
        %get3A_466 = arith.constant 1 : i32
        %get3A_467 = arith.constant 18 : i32
        %get3A_468 = arith.index_cast %get3A_466 : i32 to index
        %get3A_469 = arith.index_cast %get3A_467 : i32 to index
        %get3A_470 = arith.index_cast %select_n3A_282 : i32 to index
        %get3A_471 = arith.index_cast %mul3A_300 : i32 to index
        %get3A_472 = tpu.vector_load %arg6[%get3A_468, %get3A_469, %get3A_470, %get3A_471] {strides = array<i32>} : memref<2x19x8x128xf32, #tpu.memory_space<vmem>>, vector<16xf32>,
        %exp3A_473 = math.exp %get3A_472 : vector<16xf32>
        %add3A_474 = arith.addf %add3A_438, %exp3A_473 : vector<16xf32>
        %add3A_475 = arith.addf %add3A_456, %add3A_465 : vector<16xf32>
        %add3A_476 = arith.addf %add3A_474, %add3A_447 : vector<16xf32>
        %add3A_477 = arith.addf %add3A_475, %add3A_476 : vector<16xf32>
        %div3A_478 = arith.constant 2.040000e+03 : f32
        %div3A_479 = vector.broadcast %div3A_478 : f32 to vector<16xf32>
        %div3A_480 = arith.divf %div3A_479, %add3A_477 : vector<16xf32>
        %add3A_481 = vector.broadcast %mul3A_300 : i32 to vector<16xi32>
        %add3A_482 = arith.addi %iota3A, %add3A_481 : vector<16xi32>
        %broadcast_in_dim3A_483 = vector.broadcast %select_n3A_282 : i32 to vector<16xi32>
        %gather3A = tpu.vector_load_idx %arg6[%broadcast_in_dim3A_251, %get3A_304, %broadcast_in_dim3A_483, %add3A_482] : memref<2x19x8x128xf32, #tpu.memory_space<vmem>>[vector<16xi32>, vector<16xi32>, vector<16xi32>, vector<16xi32>], vector<16xf32>,
        %exp3A_484 = math.exp %gather3A : vector<16xf32>
        %mul3A_485 = arith.mulf %exp3A, %div3A_480 : vector<16xf32>
        %add3A_486 = arith.constant 0x4B400000 : f32
        %add3A_487 = vector.broadcast %add3A_486 : f32 to vector<16xf32>
        %add3A_488 = arith.addf %mul3A_485, %add3A_487 : vector<16xf32>
        %bitcast3A = vector.bitcast %add3A_488 : vector<16xf32> to vector<16xi32>
        %sub3A_489 = arith.constant 1262485504 : i32
        %sub3A_490 = vector.broadcast %sub3A_489 : i32 to vector<16xi32>
        %sub3A_491 = arith.subi %bitcast3A, %sub3A_490 : vector<16xi32>
        %mul3A_492 = arith.mulf %exp3A_320, %div3A_480 : vector<16xf32>
        %add3A_493 = arith.constant 0x4B400800 : f32
        %add3A_494 = vector.broadcast %add3A_493 : f32 to vector<16xf32>
        %add3A_495 = arith.addf %mul3A_492, %add3A_494 : vector<16xf32>
        %bitcast3A_496 = vector.bitcast %add3A_495 : vector<16xf32> to vector<16xi32>
        %sub3A_497 = arith.constant 1262485504 : i32
        %sub3A_498 = vector.broadcast %sub3A_497 : i32 to vector<16xi32>
        %sub3A_499 = arith.subi %bitcast3A_496, %sub3A_498 : vector<16xi32>
        %mul3A_500 = arith.mulf %exp3A_329, %div3A_480 : vector<16xf32>
        %add3A_501 = arith.constant 0x4B401000 : f32
        %add3A_502 = vector.broadcast %add3A_501 : f32 to vector<16xf32>
        %add3A_503 = arith.addf %mul3A_500, %add3A_502 : vector<16xf32>
        %bitcast3A_504 = vector.bitcast %add3A_503 : vector<16xf32> to vector<16xi32>
        %sub3A_505 = arith.constant 1262485504 : i32
        %sub3A_506 = vector.broadcast %sub3A_505 : i32 to vector<16xi32>
        %sub3A_507 = arith.subi %bitcast3A_504, %sub3A_506 : vector<16xi32>
        %mul3A_508 = arith.mulf %exp3A_338, %div3A_480 : vector<16xf32>
        %add3A_509 = arith.constant 0x4B401800 : f32
        %add3A_510 = vector.broadcast %add3A_509 : f32 to vector<16xf32>
        %add3A_511 = arith.addf %mul3A_508, %add3A_510 : vector<16xf32>
        %bitcast3A_512 = vector.bitcast %add3A_511 : vector<16xf32> to vector<16xi32>
        %sub3A_513 = arith.constant 1262485504 : i32
        %sub3A_514 = vector.broadcast %sub3A_513 : i32 to vector<16xi32>
        %sub3A_515 = arith.subi %bitcast3A_512, %sub3A_514 : vector<16xi32>
        %mul3A_516 = arith.mulf %exp3A_347, %div3A_480 : vector<16xf32>
        %add3A_517 = arith.constant 0x4B402000 : f32
        %add3A_518 = vector.broadcast %add3A_517 : f32 to vector<16xf32>
        %add3A_519 = arith.addf %mul3A_516, %add3A_518 : vector<16xf32>
        %bitcast3A_520 = vector.bitcast %add3A_519 : vector<16xf32> to vector<16xi32>
        %sub3A_521 = arith.constant 1262485504 : i32
        %sub3A_522 = vector.broadcast %sub3A_521 : i32 to vector<16xi32>
        %sub3A_523 = arith.subi %bitcast3A_520, %sub3A_522 : vector<16xi32>
        %mul3A_524 = arith.mulf %exp3A_356, %div3A_480 : vector<16xf32>
        %add3A_525 = arith.constant 0x4B402800 : f32
        %add3A_526 = vector.broadcast %add3A_525 : f32 to vector<16xf32>
        %add3A_527 = arith.addf %mul3A_524, %add3A_526 : vector<16xf32>
        %bitcast3A_528 = vector.bitcast %add3A_527 : vector<16xf32> to vector<16xi32>
        %sub3A_529 = arith.constant 1262485504 : i32
        %sub3A_530 = vector.broadcast %sub3A_529 : i32 to vector<16xi32>
        %sub3A_531 = arith.subi %bitcast3A_528, %sub3A_530 : vector<16xi32>
        %mul3A_532 = arith.mulf %exp3A_365, %div3A_480 : vector<16xf32>
        %add3A_533 = arith.constant 1.259520e+07 : f32
        %add3A_534 = vector.broadcast %add3A_533 : f32 to vector<16xf32>
        %add3A_535 = arith.addf %mul3A_532, %add3A_534 : vector<16xf32>
        %bitcast3A_536 = vector.bitcast %add3A_535 : vector<16xf32> to vector<16xi32>
        %sub3A_537 = arith.constant 1262485504 : i32
        %sub3A_538 = vector.broadcast %sub3A_537 : i32 to vector<16xi32>
        %sub3A_539 = arith.subi %bitcast3A_536, %sub3A_538 : vector<16xi32>
        %mul3A_540 = arith.mulf %exp3A_374, %div3A_480 : vector<16xf32>
        %add3A_541 = arith.constant 0x4B403800 : f32
        %add3A_542 = vector.broadcast %add3A_541 : f32 to vector<16xf32>
        %add3A_543 = arith.addf %mul3A_540, %add3A_542 : vector<16xf32>
        %bitcast3A_544 = vector.bitcast %add3A_543 : vector<16xf32> to vector<16xi32>
        %sub3A_545 = arith.constant 1262485504 : i32
        %sub3A_546 = vector.broadcast %sub3A_545 : i32 to vector<16xi32>
        %sub3A_547 = arith.subi %bitcast3A_544, %sub3A_546 : vector<16xi32>
        %mul3A_548 = arith.mulf %exp3A_383, %div3A_480 : vector<16xf32>
        %add3A_549 = arith.constant 0x4B404000 : f32
        %add3A_550 = vector.broadcast %add3A_549 : f32 to vector<16xf32>
        %add3A_551 = arith.addf %mul3A_548, %add3A_550 : vector<16xf32>
        %bitcast3A_552 = vector.bitcast %add3A_551 : vector<16xf32> to vector<16xi32>
        %sub3A_553 = arith.constant 1262485504 : i32
        %sub3A_554 = vector.broadcast %sub3A_553 : i32 to vector<16xi32>
        %sub3A_555 = arith.subi %bitcast3A_552, %sub3A_554 : vector<16xi32>
        %mul3A_556 = arith.mulf %exp3A_392, %div3A_480 : vector<16xf32>
        %add3A_557 = arith.constant 0x4B404800 : f32
        %add3A_558 = vector.broadcast %add3A_557 : f32 to vector<16xf32>
        %add3A_559 = arith.addf %mul3A_556, %add3A_558 : vector<16xf32>
        %bitcast3A_560 = vector.bitcast %add3A_559 : vector<16xf32> to vector<16xi32>
        %sub3A_561 = arith.constant 1262485504 : i32
        %sub3A_562 = vector.broadcast %sub3A_561 : i32 to vector<16xi32>
        %sub3A_563 = arith.subi %bitcast3A_560, %sub3A_562 : vector<16xi32>
        %mul3A_564 = arith.mulf %exp3A_401, %div3A_480 : vector<16xf32>
        %add3A_565 = arith.constant 0x4B405000 : f32
        %add3A_566 = vector.broadcast %add3A_565 : f32 to vector<16xf32>
        %add3A_567 = arith.addf %mul3A_564, %add3A_566 : vector<16xf32>
        %bitcast3A_568 = vector.bitcast %add3A_567 : vector<16xf32> to vector<16xi32>
        %sub3A_569 = arith.constant 1262485504 : i32
        %sub3A_570 = vector.broadcast %sub3A_569 : i32 to vector<16xi32>
        %sub3A_571 = arith.subi %bitcast3A_568, %sub3A_570 : vector<16xi32>
        %mul3A_572 = arith.mulf %exp3A_410, %div3A_480 : vector<16xf32>
        %add3A_573 = arith.constant 0x4B405800 : f32
        %add3A_574 = vector.broadcast %add3A_573 : f32 to vector<16xf32>
        %add3A_575 = arith.addf %mul3A_572, %add3A_574 : vector<16xf32>
        %bitcast3A_576 = vector.bitcast %add3A_575 : vector<16xf32> to vector<16xi32>
        %sub3A_577 = arith.constant 1262485504 : i32
        %sub3A_578 = vector.broadcast %sub3A_577 : i32 to vector<16xi32>
        %sub3A_579 = arith.subi %bitcast3A_576, %sub3A_578 : vector<16xi32>
        %mul3A_580 = arith.mulf %exp3A_419, %div3A_480 : vector<16xf32>
        %add3A_581 = arith.constant 0x4B406000 : f32
        %add3A_582 = vector.broadcast %add3A_581 : f32 to vector<16xf32>
        %add3A_583 = arith.addf %mul3A_580, %add3A_582 : vector<16xf32>
        %bitcast3A_584 = vector.bitcast %add3A_583 : vector<16xf32> to vector<16xi32>
        %sub3A_585 = arith.constant 1262485504 : i32
        %sub3A_586 = vector.broadcast %sub3A_585 : i32 to vector<16xi32>
        %sub3A_587 = arith.subi %bitcast3A_584, %sub3A_586 : vector<16xi32>
        %mul3A_588 = arith.mulf %exp3A_428, %div3A_480 : vector<16xf32>
        %add3A_589 = arith.constant 0x4B406800 : f32
        %add3A_590 = vector.broadcast %add3A_589 : f32 to vector<16xf32>
        %add3A_591 = arith.addf %mul3A_588, %add3A_590 : vector<16xf32>
        %bitcast3A_592 = vector.bitcast %add3A_591 : vector<16xf32> to vector<16xi32>
        %sub3A_593 = arith.constant 1262485504 : i32
        %sub3A_594 = vector.broadcast %sub3A_593 : i32 to vector<16xi32>
        %sub3A_595 = arith.subi %bitcast3A_592, %sub3A_594 : vector<16xi32>
        %mul3A_596 = arith.mulf %exp3A_437, %div3A_480 : vector<16xf32>
        %add3A_597 = arith.constant 0x4B407000 : f32
        %add3A_598 = vector.broadcast %add3A_597 : f32 to vector<16xf32>
        %add3A_599 = arith.addf %mul3A_596, %add3A_598 : vector<16xf32>
        %bitcast3A_600 = vector.bitcast %add3A_599 : vector<16xf32> to vector<16xi32>
        %sub3A_601 = arith.constant 1262485504 : i32
        %sub3A_602 = vector.broadcast %sub3A_601 : i32 to vector<16xi32>
        %sub3A_603 = arith.subi %bitcast3A_600, %sub3A_602 : vector<16xi32>
        %mul3A_604 = arith.mulf %exp3A_446, %div3A_480 : vector<16xf32>
        %add3A_605 = arith.constant 0x4B407800 : f32
        %add3A_606 = vector.broadcast %add3A_605 : f32 to vector<16xf32>
        %add3A_607 = arith.addf %mul3A_604, %add3A_606 : vector<16xf32>
        %bitcast3A_608 = vector.bitcast %add3A_607 : vector<16xf32> to vector<16xi32>
        %sub3A_609 = arith.constant 1262485504 : i32
        %sub3A_610 = vector.broadcast %sub3A_609 : i32 to vector<16xi32>
        %sub3A_611 = arith.subi %bitcast3A_608, %sub3A_610 : vector<16xi32>
        %mul3A_612 = arith.mulf %exp3A_455, %div3A_480 : vector<16xf32>
        %add3A_613 = arith.constant 0x4B408000 : f32
        %add3A_614 = vector.broadcast %add3A_613 : f32 to vector<16xf32>
        %add3A_615 = arith.addf %mul3A_612, %add3A_614 : vector<16xf32>
        %bitcast3A_616 = vector.bitcast %add3A_615 : vector<16xf32> to vector<16xi32>
        %sub3A_617 = arith.constant 1262485504 : i32
        %sub3A_618 = vector.broadcast %sub3A_617 : i32 to vector<16xi32>
        %sub3A_619 = arith.subi %bitcast3A_616, %sub3A_618 : vector<16xi32>
        %mul3A_620 = arith.mulf %exp3A_464, %div3A_480 : vector<16xf32>
        %add3A_621 = arith.constant 0x4B408800 : f32
        %add3A_622 = vector.broadcast %add3A_621 : f32 to vector<16xf32>
        %add3A_623 = arith.addf %mul3A_620, %add3A_622 : vector<16xf32>
        %bitcast3A_624 = vector.bitcast %add3A_623 : vector<16xf32> to vector<16xi32>
        %sub3A_625 = arith.constant 1262485504 : i32
        %sub3A_626 = vector.broadcast %sub3A_625 : i32 to vector<16xi32>
        %sub3A_627 = arith.subi %bitcast3A_624, %sub3A_626 : vector<16xi32>
        %mul3A_628 = arith.mulf %exp3A_473, %div3A_480 : vector<16xf32>
        %add3A_629 = arith.constant 0x4B409000 : f32
        %add3A_630 = vector.broadcast %add3A_629 : f32 to vector<16xf32>
        %add3A_631 = arith.addf %mul3A_628, %add3A_630 : vector<16xf32>
        %bitcast3A_632 = vector.bitcast %add3A_631 : vector<16xf32> to vector<16xi32>
        %sub3A_633 = arith.constant 1262485504 : i32
        %sub3A_634 = vector.broadcast %sub3A_633 : i32 to vector<16xi32>
        %sub3A_635 = arith.subi %bitcast3A_632, %sub3A_634 : vector<16xi32>
        %mul3A_636 = arith.constant 2048 : i32
        %mul3A_637 = vector.broadcast %mul3A_636 : i32 to vector<16xi32>
        %mul3A_638 = arith.muli %get3A_304, %mul3A_637 : vector<16xi32>
        %mul3A_639 = arith.mulf %exp3A_484, %div3A_480 : vector<16xf32>
        %add3A_640 = arith.constant 0x4B400000 : f32
        %add3A_641 = vector.broadcast %add3A_640 : f32 to vector<16xf32>
        %add3A_642 = arith.addf %mul3A_639, %add3A_641 : vector<16xf32>
        %bitcast3A_643 = vector.bitcast %add3A_642 : vector<16xf32> to vector<16xi32>
        %sub3A_644 = arith.constant 1262485504 : i32
        %sub3A_645 = vector.broadcast %sub3A_644 : i32 to vector<16xi32>
        %sub3A_646 = arith.subi %bitcast3A_643, %sub3A_645 : vector<16xi32>
        %add3A_647 = arith.addi %sub3A_646, %mul3A_638 : vector<16xi32>
        %sub3A_648 = arith.subf %add3A_477, %exp3A_484 : vector<16xf32>
        %mul3A_649 = arith.mulf %sub3A_648, %div3A_480 : vector<16xf32>
        %add3A_650 = arith.constant 0x4B400000 : f32
        %add3A_651 = vector.broadcast %add3A_650 : f32 to vector<16xf32>
        %add3A_652 = arith.addf %mul3A_649, %add3A_651 : vector<16xf32>
        %bitcast3A_653 = vector.bitcast %add3A_652 : vector<16xf32> to vector<16xi32>
        %sub3A_654 = arith.constant 1262485504 : i32
        %sub3A_655 = vector.broadcast %sub3A_654 : i32 to vector<16xi32>
        %sub3A_656 = arith.subi %bitcast3A_653, %sub3A_655 : vector<16xi32>
        %add3A_657 = arith.addi %sub3A_656, %mul3A_638 : vector<16xi32>
        tpu.vector_store_idx %arg5[%sub3A_491], %broadcast_in_dim3A_35 {add = true} : memref<77824xf32, #tpu.memory_space<vmem>>[vector<16xi32>], vector<16xf32>,
        tpu.vector_store_idx %arg5[%sub3A_499], %broadcast_in_dim3A_35 {add = true} : memref<77824xf32, #tpu.memory_space<vmem>>[vector<16xi32>], vector<16xf32>,
        tpu.vector_store_idx %arg5[%sub3A_507], %broadcast_in_dim3A_35 {add = true} : memref<77824xf32, #tpu.memory_space<vmem>>[vector<16xi32>], vector<16xf32>,
        tpu.vector_store_idx %arg5[%sub3A_515], %broadcast_in_dim3A_35 {add = true} : memref<77824xf32, #tpu.memory_space<vmem>>[vector<16xi32>], vector<16xf32>,
        tpu.vector_store_idx %arg5[%sub3A_523], %broadcast_in_dim3A_35 {add = true} : memref<77824xf32, #tpu.memory_space<vmem>>[vector<16xi32>], vector<16xf32>,
        tpu.vector_store_idx %arg5[%sub3A_531], %broadcast_in_dim3A_35 {add = true} : memref<77824xf32, #tpu.memory_space<vmem>>[vector<16xi32>], vector<16xf32>,
        tpu.vector_store_idx %arg5[%sub3A_539], %broadcast_in_dim3A_35 {add = true} : memref<77824xf32, #tpu.memory_space<vmem>>[vector<16xi32>], vector<16xf32>,
        tpu.vector_store_idx %arg5[%sub3A_547], %broadcast_in_dim3A_35 {add = true} : memref<77824xf32, #tpu.memory_space<vmem>>[vector<16xi32>], vector<16xf32>,
        tpu.vector_store_idx %arg5[%sub3A_555], %broadcast_in_dim3A_35 {add = true} : memref<77824xf32, #tpu.memory_space<vmem>>[vector<16xi32>], vector<16xf32>,
        tpu.vector_store_idx %arg5[%sub3A_563], %broadcast_in_dim3A_35 {add = true} : memref<77824xf32, #tpu.memory_space<vmem>>[vector<16xi32>], vector<16xf32>,
        tpu.vector_store_idx %arg5[%sub3A_571], %broadcast_in_dim3A_35 {add = true} : memref<77824xf32, #tpu.memory_space<vmem>>[vector<16xi32>], vector<16xf32>,
        tpu.vector_store_idx %arg5[%sub3A_579], %broadcast_in_dim3A_35 {add = true} : memref<77824xf32, #tpu.memory_space<vmem>>[vector<16xi32>], vector<16xf32>,
        tpu.vector_store_idx %arg5[%sub3A_587], %broadcast_in_dim3A_35 {add = true} : memref<77824xf32, #tpu.memory_space<vmem>>[vector<16xi32>], vector<16xf32>,
        tpu.vector_store_idx %arg5[%sub3A_595], %broadcast_in_dim3A_35 {add = true} : memref<77824xf32, #tpu.memory_space<vmem>>[vector<16xi32>], vector<16xf32>,
        tpu.vector_store_idx %arg5[%sub3A_603], %broadcast_in_dim3A_35 {add = true} : memref<77824xf32, #tpu.memory_space<vmem>>[vector<16xi32>], vector<16xf32>,
        tpu.vector_store_idx %arg5[%sub3A_611], %broadcast_in_dim3A_35 {add = true} : memref<77824xf32, #tpu.memory_space<vmem>>[vector<16xi32>], vector<16xf32>,
        tpu.vector_store_idx %arg5[%sub3A_619], %broadcast_in_dim3A_35 {add = true} : memref<77824xf32, #tpu.memory_space<vmem>>[vector<16xi32>], vector<16xf32>,
        tpu.vector_store_idx %arg5[%sub3A_627], %broadcast_in_dim3A_35 {add = true} : memref<77824xf32, #tpu.memory_space<vmem>>[vector<16xi32>], vector<16xf32>,
        tpu.vector_store_idx %arg5[%sub3A_635], %broadcast_in_dim3A_35 {add = true} : memref<77824xf32, #tpu.memory_space<vmem>>[vector<16xi32>], vector<16xf32>,
        tpu.vector_store_idx %arg5[%add3A_647], %broadcast_in_dim3A_42 {add = true} : memref<77824xf32, #tpu.memory_space<vmem>>[vector<16xi32>], vector<16xf32>,
        tpu.vector_store_idx %arg5[%add3A_657], %broadcast_in_dim3A_35 {add = true} : memref<77824xf32, #tpu.memory_space<vmem>>[vector<16xi32>], vector<16xf32>,
        %add3A_658 = arith.constant 38912 : i32
        %add3A_659 = vector.broadcast %add3A_658 : i32 to vector<16xi32>
        %add3A_660 = arith.addi %add3A_657, %add3A_659 : vector<16xi32>
        tpu.vector_store_idx %arg5[%add3A_660], %broadcast_in_dim3A_35 {add = true} : memref<77824xf32, #tpu.memory_space<vmem>>[vector<16xi32>], vector<16xf32>,
      }
      %scan3A_257 = arith.constant 64 : i32
    }
    %scan3A_129 = arith.constant 16 : i32
    "tpu.region"() ({
      %run_scoped3A = tpu.sem_alloc : memref<!tpu.dma_semaphore, #tpu.memory_space<semaphore_mem>>
      %dma_start3A_130 = arith.constant 0 : i32
      %dma_start3A_131 = tpu.memref_slice %arg4[%add3A, %dma_start3A_130] : memref<32x77824xf32, #tpu.memory_space<hbm>> -> memref<1x77824xf32, #tpu.memory_space<hbm>>
      %dma_start3A_132 = tpu.memref_squeeze %dma_start3A_131 : memref<1x77824xf32, #tpu.memory_space<hbm>> -> memref<77824xf32, #tpu.memory_space<hbm>>
      %dma_start3A_133 = arith.constant 0 : i32
      %dma_start3A_134 = tpu.memref_slice %arg4[%add3A, %dma_start3A_133] : memref<32x77824xf32, #tpu.memory_space<hbm>> -> memref<1x77824xf32, #tpu.memory_space<hbm>>
      %dma_start3A_135 = tpu.memref_squeeze %dma_start3A_134 : memref<1x77824xf32, #tpu.memory_space<hbm>> -> memref<77824xf32, #tpu.memory_space<hbm>>
      tpu.enqueue_dma source(%arg5 : memref<77824xf32, #tpu.memory_space<vmem>>) target(%dma_start3A_135 : memref<77824xf32, #tpu.memory_space<hbm>>) target_semaphore(%run_scoped3A : memref<!tpu.dma_semaphore, #tpu.memory_space<semaphore_mem>>)
      %dma_wait3A = arith.constant 0 : i32
      %dma_wait3A_136 = tpu.memref_slice %arg4[%add3A, %dma_wait3A] : memref<32x77824xf32, #tpu.memory_space<hbm>> -> memref<1x77824xf32, #tpu.memory_space<hbm>>
      %dma_wait3A_137 = tpu.memref_squeeze %dma_wait3A_136 : memref<1x77824xf32, #tpu.memory_space<hbm>> -> memref<77824xf32, #tpu.memory_space<hbm>>
      %dma_wait3A_138 = arith.constant 0 : i32
      %dma_wait3A_139 = tpu.memref_slice %arg4[%add3A, %dma_wait3A_138] : memref<32x77824xf32, #tpu.memory_space<hbm>> -> memref<1x77824xf32, #tpu.memory_space<hbm>>
      %dma_wait3A_140 = tpu.memref_squeeze %dma_wait3A_139 : memref<1x77824xf32, #tpu.memory_space<hbm>> -> memref<77824xf32, #tpu.memory_space<hbm>>
      tpu.wait_dma2 semaphore(%run_scoped3A : memref<!tpu.dma_semaphore, #tpu.memory_space<semaphore_mem>>) src(%arg5 : memref<77824xf32, #tpu.memory_space<vmem>>) dst(%dma_wait3A_140 : memref<77824xf32, #tpu.memory_space<hbm>>)
      tpu.yield
    }) : () -> ()
    return
  }
}

module attributes {stable_mosaic.version = 14 : i64} {
  func.func @_tc_reduce_body(%arg0: memref<32x38x2048xf32, #tpu.memory_space<vmem>>, %arg1: memref<1x1xf32, #tpu.memory_space<vmem>>) attributes {dimension_semantics = [], scalar_prefetch = 0 : i64, scratch_operands = 0 : i64, tpu.core_type = #tpu.core_type<tc>} {
    %get3A = arith.constant 0 : index
    %get3A_0 = arith.constant 0 : index
    %get3A_1 = arith.constant 0 : index
    %get3A_2 = vector.load %arg0[%get3A, %get3A_0, %get3A_1] : memref<32x38x2048xf32, #tpu.memory_space<vmem>>, vector<32x38x2048xf32>
    %reduce_sum3A = arith.constant dense<0.000000e+00> : vector<38x2048xf32>
    %reduce_sum3A_3 = vector.multi_reduction <add>, %get3A_2, %reduce_sum3A [0] : vector<32x38x2048xf32> to vector<38x2048xf32>
    %slice3A = vector.extract_strided_slice %reduce_sum3A_3 {offsets = [19, 0], sizes = [19, 2048], strides = [1, 1]} : vector<38x2048xf32> to vector<19x2048xf32>
    %reduce_sum3A_4 = arith.constant dense<0.000000e+00> : vector<19xf32>
    %reduce_sum3A_5 = vector.multi_reduction <add>, %slice3A, %reduce_sum3A_4 [1] : vector<19x2048xf32> to vector<19xf32>
    %broadcast_in_dim3A = vector.shape_cast %reduce_sum3A_5 : vector<19xf32> to vector<19x1xf32>
    %broadcast_in_dim3A_6 = arith.constant 0.000000e+00 : f32
    %broadcast_in_dim3A_7 = vector.broadcast %broadcast_in_dim3A_6 : f32 to vector<19x1xf32>
    %scan3A = arith.constant 0 : i32
    %scan3A_8 = arith.constant 8 : i32
    %scan3A_9 = arith.addi %scan3A, %scan3A_8 : i32
    %scan3A_10 = arith.constant 1 : i32
    %scan3A_11 = scf.for %scan3A_34 = %scan3A to %scan3A_9 step %scan3A_10 iter_args(%scan3A_35 = %broadcast_in_dim3A_7) -> (vector<19x1xf32>)  : i32 {
      %iota3A = tpu.iota {dimensions = array<i32: 0>} : vector<2048x256xi32>
      %iota3A_36 = tpu.iota {dimensions = array<i32: 1>} : vector<2048x256xi32>
      %mul3A_37 = arith.constant 256 : i32
      %mul3A_38 = arith.muli %scan3A_34, %mul3A_37 : i32
      %add3A = vector.broadcast %mul3A_38 : i32 to vector<2048x256xi32>
      %add3A_39 = arith.addi %iota3A_36, %add3A : vector<2048x256xi32>
      %ge3A = arith.cmpi sge, %iota3A, %add3A_39 : vector<2048x256xi32>
      %convert_element_type3A_40 = arith.extui %ge3A : vector<2048x256xi1> to vector<2048x256xi32>
      %convert_element_type3A_41 = arith.sitofp %convert_element_type3A_40 : vector<2048x256xi32> to vector<2048x256xf32>
      %dot_general3A = arith.constant dense<0.000000e+00> : vector<38x256xf32>
      %dot_general3A_42 = tpu.matmul %reduce_sum3A_3, %convert_element_type3A_41, %dot_general3A {dimension_numbers = #tpu.dot_dimension_numbers<[1], [0], [0], [1], [0, 0, 1, 1], [], []>, transpose_lhs_hint = false} : vector<38x2048xf32>, vector<2048x256xf32>, vector<38x256xf32> -> vector<38x256xf32>
      %slice3A_43 = vector.extract_strided_slice %dot_general3A_42 {offsets = [0, 0], sizes = [19, 256], strides = [1, 1]} : vector<38x256xf32> to vector<19x256xf32>
      %slice3A_44 = vector.extract_strided_slice %dot_general3A_42 {offsets = [19, 0], sizes = [19, 256], strides = [1, 1]} : vector<38x256xf32> to vector<19x256xf32>
      %add3A_45 = vector.broadcast %broadcast_in_dim3A : vector<19x1xf32> to vector<19x256xf32>
      %add3A_46 = arith.addf %add3A_45, %slice3A_43 : vector<19x256xf32>
      %sub3A = arith.subf %add3A_46, %slice3A_44 : vector<19x256xf32>
      %max3A_47 = arith.constant 1.000000e+00 : f32
      %max3A_48 = vector.broadcast %max3A_47 : f32 to vector<19x256xf32>
      %max3A_49 = arith.maximumf %sub3A, %max3A_48 : vector<19x256xf32>
      %sub3A_50 = vector.broadcast %broadcast_in_dim3A : vector<19x1xf32> to vector<19x256xf32>
      %sub3A_51 = arith.subf %sub3A_50, %slice3A_44 : vector<19x256xf32>
      %div3A_52 = arith.divf %sub3A_51, %max3A_49 : vector<19x256xf32>
      %sub3A_53 = arith.constant 1.000000e+00 : f32
      %sub3A_54 = vector.broadcast %sub3A_53 : f32 to vector<19x256xf32>
      %sub3A_55 = arith.subf %sub3A_54, %div3A_52 : vector<19x256xf32>
      %iota3A_56 = tpu.iota {dimensions = array<i32: 1>} : vector<1x256xi32>
      %mul3A_57 = arith.constant 256 : i32
      %mul3A_58 = arith.muli %scan3A_34, %mul3A_57 : i32
      %add3A_59 = vector.broadcast %mul3A_58 : i32 to vector<1x256xi32>
      %add3A_60 = arith.addi %iota3A_56, %add3A_59 : vector<1x256xi32>
      %ge3A_61 = arith.constant 1 : i32
      %ge3A_62 = vector.broadcast %ge3A_61 : i32 to vector<1x256xi32>
      %ge3A_63 = arith.cmpi sge, %add3A_60, %ge3A_62 : vector<1x256xi32>
      %jit3A = arith.constant 0.000000e+00 : f32
      %broadcast_in_dim3A_64 = vector.shape_cast %ge3A_63 : vector<1x256xi1> to vector<1x256xi1>
      %broadcast_in_dim3A_65 = vector.broadcast %broadcast_in_dim3A_64 : vector<1x256xi1> to vector<19x256xi1>
      %broadcast_in_dim3A_66 = vector.broadcast %jit3A : f32 to vector<19x256xf32>
      %select_n3A = arith.select %broadcast_in_dim3A_65, %sub3A_55, %broadcast_in_dim3A_66 : vector<19x256xi1>, vector<19x256xf32>
      %reduce_sum3A_67 = arith.constant dense<0.000000e+00> : vector<19xf32>
      %reduce_sum3A_68 = vector.multi_reduction <add>, %select_n3A, %reduce_sum3A_67 [1] : vector<19x256xf32> to vector<19xf32>
      %broadcast_in_dim3A_69 = vector.shape_cast %reduce_sum3A_68 : vector<19xf32> to vector<19x1xf32>
      %add3A_70 = arith.addf %scan3A_35, %broadcast_in_dim3A_69 : vector<19x1xf32>
      scf.yield %add3A_70 : vector<19x1xf32>
    }
    %scan3A_12 = arith.constant 8 : i32
    %squeeze3A = vector.shape_cast %scan3A_11 : vector<19x1xf32> to vector<19xf32>
    %div3A = arith.constant 2.040000e+03 : f32
    %div3A_13 = vector.broadcast %div3A : f32 to vector<19xf32>
    %div3A_14 = arith.divf %squeeze3A, %div3A_13 : vector<19xf32>
    %squeeze3A_15 = vector.shape_cast %broadcast_in_dim3A : vector<19x1xf32> to vector<19xf32>
    %gt3A = arith.constant 0.000000e+00 : f32
    %gt3A_16 = vector.broadcast %gt3A : f32 to vector<19xf32>
    %gt3A_17 = arith.cmpf ogt, %squeeze3A_15, %gt3A_16 : vector<19xf32>
    %convert_element_type3A = arith.extui %gt3A_17 : vector<19xi1> to vector<19xi32>
    %convert_element_type3A_18 = arith.sitofp %convert_element_type3A : vector<19xi32> to vector<19xf32>
    %mul3A = arith.mulf %div3A_14, %convert_element_type3A_18 : vector<19xf32>
    %reduce_sum3A_19 = vector.shape_cast %mul3A : vector<19xf32> to vector<1x19xf32>
    %reduce_sum3A_20 = arith.constant dense<0.000000e+00> : vector<1xf32>
    %reduce_sum3A_21 = vector.multi_reduction <add>, %reduce_sum3A_19, %reduce_sum3A_20 [1] : vector<1x19xf32> to vector<1xf32>
    %reduce_sum3A_22 = vector.shape_cast %reduce_sum3A_21 : vector<1xf32> to vector<1x1xf32>
    %reduce_sum3A_23 = vector.extract %reduce_sum3A_22[0, 0] : f32 from vector<1x1xf32>
    %reduce_sum3A_24 = vector.shape_cast %convert_element_type3A_18 : vector<19xf32> to vector<1x19xf32>
    %reduce_sum3A_25 = arith.constant dense<0.000000e+00> : vector<1xf32>
    %reduce_sum3A_26 = vector.multi_reduction <add>, %reduce_sum3A_24, %reduce_sum3A_25 [1] : vector<1x19xf32> to vector<1xf32>
    %reduce_sum3A_27 = vector.shape_cast %reduce_sum3A_26 : vector<1xf32> to vector<1x1xf32>
    %reduce_sum3A_28 = vector.extract %reduce_sum3A_27[0, 0] : f32 from vector<1x1xf32>
    %max3A = arith.constant 1.000000e+00 : f32
    %max3A_29 = arith.maximumf %reduce_sum3A_28, %max3A : f32
    %div3A_30 = arith.divf %reduce_sum3A_23, %max3A_29 : f32
    %broadcast_in_dim3A_31 = vector.broadcast %div3A_30 : f32 to vector<1x1xf32>
    %swap3A = arith.constant 0 : index
    %swap3A_32 = arith.constant 0 : index
    %swap3A_33 = vector.load %arg1[%swap3A, %swap3A_32] : memref<1x1xf32, #tpu.memory_space<vmem>>, vector<1x1xf32>
    tpu.vector_store %arg1[%swap3A, %swap3A_32], %broadcast_in_dim3A_31 {strides = array<i32>} : memref<1x1xf32, #tpu.memory_space<vmem>>, vector<1x1xf32>,
    return
  }
}

</mosaic_0001>

<sc_bundles>
// kernel: kernel.4.cloned.1.call-start
scs
__scs_entry_jumppad:
0x0: {  	(pc) =	sbr.rel $0x88, $3  }
0x1: {  	(tag) =	ssettag $0x0;
	lr =	simm.s32 $0x1  }
0x2: {  	[smem:$0x3F9F] =	sst lr;
	_ =	strace $0xD0000000  }
0x3: {  	_ = 	snop  }
0x4: {  	_ = 	snop  }
0x5: {  	_ = 	snop  }
0x6: {  	_ = 	snop  }
0x7: {  	_ = 	snop  }
__scs_overlays_trampoline_lowered:
0x8: {  	[smem:$0x3FAE] =	sst s0  }
0x9: {  	[smem:$0x3FAF] =	sst s1  }
0xa: {  	[smem:$0x3FB0] =	sst s2  }
0xb: {  	[smem:$0x3FB1] =	sst s3  }
0xc: {  	[smem:$0x3FB2] =	sst s4  }
0xd: {  	[smem:$0x3FB3] =	sst s5  }
0xe: {  	[smem:$0x3FB4] =	sst s6  }
0xf: {  	[smem:$0x3FB5] =	sst s7  }
0x10: {  	[smem:$0x3FB6] =	sst s8  }
0x11: {  	[smem:$0x3FB7] =	sst s9;
	s0 =	simm.s32 @!p0 $0x0  }
0x12: {  	s1 =	sld [smem:$0x3F9D];
	s0 =	simm.s32 @p0 $0x1  }
0x13: {  	[smem:$0x3FB8] =	sst s0;
	s0 =	simm.s32 @!p1 $0x0  }
0x14: {  	s2 =	sld [smem:$0x3F9C];
	s0 =	simm.s32 @p1 $0x1  }
0x15: {  	[smem:$0x3FB9] =	sst s0;
	s0 =	simm.s32 @!p2 $0x0  }
0x16: {  	s3 =	sld [smem:$0x3FDB];
	s0 =	simm.s32 @p2 $0x1  }
0x17: {  	s4 =	simm.s32 $0x1BF5;
	[smem:$0x3FBB] =	sst s0  }
0x18: {  	s0 =	sld [smem:$0x3F9E];
	_ =	swait.ge [sflag:s4], $0x0  }
0x19: {  	s7 =	sld [smem:$0x3F9F]  }
0x1a: {  	s8 =	sadd.s32 $0xFFFFE003, lr  }
0x1b: {  	s9 =	sadd.s32 $0xFFFFFEF7, lr;
	s5 =	simm.s32 $0xFFFFFFFF;
	p2 =	slt.u32 s8, $0xFFFFF086  }
0x1c: {  	p1 =	slt.u32 s9, $0xF7A;
	s5 =	simm.s32 @!p2 $0x0  }
0x1d: {  	s5 =	simm.s32 @p1 $0x1;
	p0 =	seq.s32 s7, s2  }
0x1e: {  	s7 =	smul.u32 @!p0 $0xF7A, s2;
	p2 =	seq.s32 @!p0 s5, $0x0  }
0x1f: {  	s9 =	smul.u32 $0xF7A, s1;
	s8 =	simm.s32 @!p0 $0x1BF5;
	p2 =	por !p2, p0  }
0x20: {  	[sflag:s8] =	ssyncset.s32 @!p0 $0xFFFFF086;
	s6 =	sadd.s32 @!p0 s3, s7;
	s7 =	simm.s32 @!p0 $0x108  }
0x21: {  	s3 =	sadd.s32 s3, s9;
	s6 =	sadd.s32 @!p0 $0x88, s6;
	s7 =	simm.s32 @p2 $0x1082  }
0x22: {  	[simem:s7], [sflag:s8] =	dma.local @!p0 [hbm:s6], $0xF7A  }
0x23: {  	s9 =	sor.u32 $0xD0000000, s2;
	s6 =	simm.s32 $0x108;
	_ =	swait.ge @!p0 [sflag:s8], $0x0  }
0x24: {  	s3 =	sadd.s32 $0x88, s3;
	s6 =	simm.s32 @!p1 $0x1082;
	[sflag:s4] =	ssyncset.s32 $0xFFFFF086  }
0x25: {  	[simem:s6], [sflag:s4] =	dma.local [hbm:s3], $0xF7A  }
0x26: {  	[smem:$0x3F9F] =	sst s1;
	(tag) =	ssettag s2;
	_ =	strace s9  }
0x27: {  	s1 =	sld [smem:$0x3FAF]  }
0x28: {  	s2 =	sld [smem:$0x3FB0]  }
0x29: {  	s4 =	sld [smem:$0x3FB2]  }
0x2a: {  	p0 =	seq.s32 s5, $0x0;
	s5 =	sld [smem:$0x3FB3]  }
0x2b: {  	s6 =	sld [smem:$0x3FB4]  }
0x2c: {  	s7 =	sld [smem:$0x3FB5]  }
0x2d: {  	s3 =	simm.s32 $0x108;
	s8 =	sld [smem:$0x3FB6]  }
0x2e: {  	s3 =	simm.s32 @!p0 $0x1082;
	s9 =	sld [smem:$0x3FB7]  }
0x2f: {  	lr =	sadd.s32 s0, s3;
	s0 =	sld [smem:$0x3FAE]  }
0x30: {  	s3 =	sld [smem:$0x3FB1]  }
0x31: {  	[smem:$0x3FBA] =	sst s10  }
0x32: {  	s10 =	sld [smem:$0x3FB8];
	_ =	sdelay $0x3  }
0x33: {  	p0 =	seq.s32 s10, $0x1;
	s10 =	sld [smem:$0x3FBA];
	_ =	sdelay $0x3  }
0x34: {  	[smem:$0x3FBA] =	sst s10  }
0x35: {  	s10 =	sld [smem:$0x3FB9];
	_ =	sdelay $0x3  }
0x36: {  	p1 =	seq.s32 s10, $0x1;
	s10 =	sld [smem:$0x3FBA];
	_ =	sdelay $0x3  }
0x37: {  	[smem:$0x3FBA] =	sst s10  }
0x38: {  	s10 =	sld [smem:$0x3FBB]  }
0x39: {  	_ = 	snop;
	(pc) =	sbr.ind lr, $3  }
0x3a: {  	_ = 	snop  }
0x3b: {  	_ = 	snop  }
0x3c: {  	p2 =	seq.s32 s10, $0x1;
	s10 =	sld [smem:$0x3FBA]  }
0x3d: {  	_ =	shalt  }
0x3e: {  	_ =	shalt  }
0x3f: {  	_ =	shalt  }
0x40: {  	_ =	shalt  }
0x41: {  	_ =	shalt  }
0x42: {  	_ =	shalt  }
0x43: {  	_ =	shalt  }
0x44: {  	_ =	shalt  }
0x45: {  	_ =	shalt  }
0x46: {  	_ =	shalt  }
0x47: {  	_ =	shalt  }
0x48: {  	_ =	shalt  }
0x49: {  	_ =	shalt  }
0x4a: {  	_ =	shalt  }
0x4b: {  	_ =	shalt  }
0x4c: {  	_ =	shalt  }
0x4d: {  	_ =	shalt  }
0x4e: {  	_ =	shalt  }
0x4f: {  	_ =	shalt  }
0x50: {  	_ =	shalt  }
0x51: {  	_ =	shalt  }
0x52: {  	_ =	shalt  }
0x53: {  	_ =	shalt  }
0x54: {  	_ =	shalt  }
0x55: {  	_ =	shalt  }
0x56: {  	_ =	shalt  }
0x57: {  	_ =	shalt  }
0x58: {  	_ =	shalt  }
0x59: {  	_ =	shalt  }
0x5a: {  	_ =	shalt  }
0x5b: {  	_ =	shalt  }
0x5c: {  	_ =	shalt  }
0x5d: {  	_ =	shalt  }
0x5e: {  	_ =	shalt  }
0x5f: {  	_ =	shalt  }
0x60: {  	_ =	shalt  }
0x61: {  	_ =	shalt  }
0x62: {  	_ =	shalt  }
0x63: {  	_ =	shalt  }
0x64: {  	_ =	shalt  }
0x65: {  	_ =	shalt  }
0x66: {  	_ =	shalt  }
0x67: {  	_ =	shalt  }
0x68: {  	_ =	shalt  }
0x69: {  	_ =	shalt  }
0x6a: {  	_ =	shalt  }
0x6b: {  	_ =	shalt  }
0x6c: {  	_ =	shalt  }
0x6d: {  	_ =	shalt  }
0x6e: {  	_ =	shalt  }
0x6f: {  	_ =	shalt  }
0x70: {  	_ =	shalt  }
0x71: {  	_ =	shalt  }
0x72: {  	_ =	shalt  }
0x73: {  	_ =	shalt  }
0x74: {  	_ =	shalt  }
0x75: {  	_ =	shalt  }
0x76: {  	_ =	shalt  }
0x77: {  	_ =	shalt  }
0x78: {  	_ =	shalt  }
0x79: {  	_ =	shalt  }
0x7a: {  	_ =	shalt  }
0x7b: {  	_ =	shalt  }
0x7c: {  	_ =	shalt  }
0x7d: {  	_ =	shalt  }
0x7e: {  	_ =	shalt  }
0x7f: {  	_ =	shalt  }
0x80: {  	_ =	shalt  }
0x81: {  	_ =	shalt  }
0x82: {  	_ =	shalt  }
0x83: {  	_ =	shalt  }
0x84: {  	_ =	shalt  }
0x85: {  	_ =	shalt  }
0x86: {  	_ =	shalt  }
0x87: {  	_ =	shalt  }
.Lfunc_end0:
.L_simem_size_0:
called_computation_lowered:
.L_overlay_start_0:
0x88: {  	s2 =	sld [smem:$0x3FD9]  }
0x89: {  	s3 =	sld [smem:$0x3FFE];
	_ =	sdelay $0x1  }
0x8a: {  	s1 =	srdreg.scid  }
0x8b: {  	s0 =	sand.u32 $0x1, s1  }
0x8c: {  	s17 =	sshll.u32 s0, $0xA;
	s2 =	sadd.s32 s3, s2  }
0x8d: {  	s2 =	sadd.s32 s2, s17  }
0x8e: {  	[smem:$0x3FC6] =	sst s2  }
0x8f: {  	_ = 	snop  }
0x90: {  	s2 =	sld [smem:$0x3FC9]  }
0x91: {  	s18 =	sld [smem:$0x3FC8];
	(tm) =	ssettm $0x1  }
0x92: {  	s4 =	sld [smem:$0x3FFB];
	_ =	sdelay $0x3  }
0x93: {  	_ =	strace s4  }
0x94: {  	s4 =	sld [smem:$0x3FFC];
	_ =	sdelay $0x3  }
0x95: {  	_ =	strace s4  }
0x96: {  	s4 =	sld [smem:$0x3FFD];
	_ =	sdelay $0x3  }
0x97: {  	_ =	strace s4  }
0x98: {  	_ =	strace $0x8FFFFFFF  }
0x99: {  	s19 =	sld [smem:$0x3FDB];
	_ =	sdelay $0x1  }
0x9a: {  	s5 =	simm.s32 $_scs_section_size  }
0x9b: {  	s6 =	simm.s32 $_size__tile_overlayer_lowered;
	s7 =	simm.s32 $_tile_overlayer_lowered  }
0x9c: {  	s22 =	simm.s32 $0x1BFF;
	s21 =	sshll.u32 s7, $0x1;
	s4 =	sadd.s32 s5, s19  }
0x9d: {  	s8 =	simm.s32 $0x0;
	s20 =	sshll.u32 s6, $0x1;
	s6 =	sadd.s32 s21, s4  }
0x9e: {  	[timem:s8], [sflag:s22] =	dma.local [hbm:s6], s20  }
0x9f: {  	_ =	swait.ge [sflag:s22], s20  }
0xa0: {  	s5 =	ssub.s32 $0x0, s20;
	[sflag:s22] =	ssyncset.done $0x0  }
0xa1: {  	[sflag:s22] =	ssyncadd.s32 s5;
	_ =	sdelay $0x1  }
0xa2: {  	s23 =	simm.s32 $0x1B8B  }
0xa3: {  	_ =	swait.ge [sflag:s23], $0x1  }
0xa4: {  	[sflag:s23] =	ssyncset.done $0x0  }
0xa5: {  	s25 =	simm.s32 $0x1B8E;
	s24 =	sld [smem:$0x3FFE];
	[sflag:s23] =	ssyncadd.s32 $0xFFFFFFFF  }
0xa6: {  	s26 =	simm.s32 $execute0_lowered;
	[smem:$0x3FD2] =	sst s25  }
0xa7: {  	s6 =	sshll.u32 s26, $0x1;
	_ =	strace $0x80000046;
	[dreg:$0x1] =	wrdreg $0xFFFFFFFF  }
0xa8: {  	s28 =	simm.s32 $_size_execute0_lowered;
	s4 =	sadd.s32 s4, s6;
	[dreg:$0x0] =	wrdreg $0x0  }
0xa9: {  	s6 =	sshll.u32 s28, $0x1;
	[dreg:$0x2] =	wrdreg s4  }
0xaa: {  	[dreg:$0x3] =	wrdreg s6  }
0xab: {  	[dreg:$0x4] =	wrdreg $0xC0  }
0xac: {  	_ =	task [dreg:s8], $0x5FFFF  }
0xad: {  	[dreg:$0x1] =	wrdreg $0xFFFFFFFF  }
0xae: {  	[dreg:$0x0] =	wrdreg $0x60  }
0xaf: {  	[dreg:$0x2] =	wrdreg s2  }
0xb0: {  	[dreg:$0x3] =	wrdreg s18  }
0xb1: {  	[dreg:$0x4] =	wrdreg s24  }
0xb2: {  	[dreg:$0x5] =	wrdreg $0x9  }
0xb3: {  	_ =	task.clear_ibuf [dreg:s8], $0x6FFFF;
	_ =	strace $0x90000046  }
0xb4: {  	s29 =	simm.s32 $0x9;
	_ =	strace $0x80000048  }
0xb5: {  	_ =	swait.ge [sflag:s29], $0x1  }
0xb6: {  	[sflag:s29] =	ssyncadd.s32 $0xFFFFFFFF  }
0xb7: {  	_ =	strace $0x90000048  }
0xb8: {  	_ =	sfence  }
0xb9: {  	s30 =	sld [smem:$0x0];
	_ =	sdelay $0x2  }
0xba: {  	s31 =	sshll.u32 s1, $0xD;
	s1 =	sshrl.u32 s1, $0x2  }
0xbb: {  	s3 =	sand.u32 $0x4000, s31;
	s1 =	sadd.s32 s1, s30  }
0xbc: {  	s0 =	sor.u32 s3, s0;
	s1 =	sshll.u32 s1, $0x11  }
0xbd: {  	s0 =	sor.u32 s1, s0  }
0xbe: {  	s0 =	sadd.s32 $0x8F2B, s0  }
0xbf: {  	[sflag:s0] =	ssyncadd.remote.s32 $0x1  }
0xc0: {  	_ =	sfence.sel $0xFFFF  }
0xc1: {  	[dreg:$0x0] =	wrdreg $0xFFFFFFFF;
	(pc) =	sbr.abs _section_cstart, $3  }
0xc2: {  	[dreg:$0x1] =	wrdreg $0xFFFFFFFF  }
0xc3: {  	_ =	task.clear_ibuf [dreg:s8], $0x2FFFF;
	_ =	strace $0x9FFFFFFF  }
0xc4: {  	(tm) =	ssettm $0x7FFFFFFF  }
0xc5: {  	_ =	shalt  }
tec
execute0_lowered:
.L_overlay_start_1:
0x0: {  	(tag) =	ssettag $0x1  }
0x1: {  	s1 =	rddreg [dreg:$0x0]  }
0x2: {  	s0 =	srdreg.scid;
	s3 =	rddreg [dreg:$0x1]  }
0x3: {  	s4 =	stileid.u32;
	s5 =	rddreg [dreg:$0x2];
	s12 =	simm.s32 $0x400  }
0x4: {  	s13 =	simm.s32 $0x40000;
	s14 =	simm.s32 $0x13000;
	s15 =	simm.s32 $0x1C800  }
0x5: {  	s16 =	simm.s32 $0x1;
	s17 =	simm.s32 $0x3;
	s18 =	simm.s32 $0x17C00  }
0x6: {  	s19 =	simm.s32 $0x1CC00;
	s20 =	simm.s32 $0x2;
	s21 =	simm.s32 $0x4  }
0x7: {  	s22 =	simm.s32 $0x80;
	s0 =	sand.u32 $0x1, s0;
	s2 =	sshll.u32 s4, $0x1  }
0x8: {  	s23 =	simm.s32 $0x5;
	s6 =	sshrl.u32 s4, $0x2;
	s2 =	sor.u32 s0, s2  }
0x9: {  	s24 =	simm.s32 $0x0;
	s7 =	smul.u32 $0x98000, s6;
	s8 =	sshll.u32 s2, $0x7  }
0xa: {  	s25 =	simm.s32 $0x0;
	s4 =	simm.s32 $0x0;
	s8 =	sand.u32 $0x380, s8  }
0xb: {  	[smem:$0x7FF] =	sst s4;
	s0 =	ssub.s32 $0x2, s0;
	s7 =	sor.u32 s7, s8  }
0xc: {  	_ =	strace $0x80000047;
	s2 =	sand.u32 $0x7, s2;
	s7 =	sshrl.u32 s7, $0x3  }
0xd: {  	s29 =	sshrl.u32 s0, $0x1;
	s10 =	sadd.s32 s7, s5;
	s5 =	smul.u32 $0x4C0000, s6  }
0xe: {  	s28 =	sshll.u32 s2, $0xF;
	s0 =	ssub.s32 s0, s29;
	s6 =	sshll.u32 s6, $0x12  }
0xf: {  	s11 =	smax.u32 s0, $0x1;
	s7 =	sor.u32 s6, s28;
	s9 =	sor.u32 s5, s28  }
0x10: {  	v0 =	vimm.f32 $0.0e+00;
	s10 =	sadd.s32 $0x400, s10;
	s31 =	sshrl.u32 s7, $0x3;
	s30 =	sshrl.u32 s9, $0x3  }
0x11: {  	v1 =	vlaneseq.u32;
	v2 =	vimm.f32 $1.000000000e+00;
	v3 =	vimm.f32 $-1.000000000e+00;
	s7 =	sshll.u32 s2, $0x5;
	s9 =	sadd.s32 s3, s31;
	s8 =	sadd.s32 s1, s30  }
.LBB2_1:
0x12: {  	s0 =	simm.s32 $0x0;
	s2 =	simm.s32 $0x200  }
.LBB2_2:
0x13: {  	p0 =	sne.s32 s2, $0x4BE00;
	[tilespmem:s0+$0x70] =	vst v0  }
0x14: {  	[tilespmem:s0+$0x0] =	vst v0  }
0x15: {  	[tilespmem:s0+$0x10] =	vst v0  }
.Ltmp0:
0x16: {  	[tilespmem:s0+$0x20] =	vst v0;
	(pc) =	sbr.rel @p0 .LBB2_2-.Ltmp0, $4  }
0x17: {  	[tilespmem:s0+$0x30] =	vst v0  }
0x18: {  	[tilespmem:s0+$0x40] =	vst v0  }
0x19: {  	[tilespmem:s0+$0x50] =	vst v0  }
0x1a: {  	[tilespmem:s0+$0x60] =	vst v0;
	s0 =	sshra.s32 s2, $0x2;
	s2 =	sadd.s32 $0x200, s2  }
0x1b: {  	[tilespmem:s0+$0x70] =	vst v0  }
0x1c: {  	[tilespmem:s0+$0x0] =	vst v0  }
0x1d: {  	[tilespmem:s0+$0x10] =	vst v0  }
0x1e: {  	[tilespmem:s0+$0x20] =	vst v0  }
0x1f: {  	[tilespmem:s0+$0x30] =	vst v0  }
0x20: {  	[tilespmem:s0+$0x40] =	vst v0  }
0x21: {  	[tilespmem:s0+$0x50] =	vst v0  }
0x22: {  	[tilespmem:s0+$0x60] =	vst v0  }
0x23: {  	[tilespmem:s14], [sflag:$0x1] =	stream.strided.gather [hbm4b:s8+s12], $0x4C00, s13, s12, $0x38;
	[tilespmem:$0x1D000] =	vst v63  }
0x24: {  	s26 =	simm.s32 $0x0  }
0x25: {  	[tilespmem:s15], [sflag:$0x3] =	stream.linear.gather [hbm4b:s9+s25], $0x400, $0x38;
	[tilespmem:$0x1D000] =	vst v63  }
.LBB2_4:
0x26: {  	s28 =	sshll.u32 s26, $0x1  }
0x27: {  	s0 =	sadd.s32 s7, s28  }
0x28: {  	s2 =	sshll.u32 s26, $0xB;
	s0 =	sshll.u32 s0, $0xA  }
0x29: {  	_ =	swait.ge [sflag:s16], $0x4C00;
	s2 =	sand.u32 $0x800, s2;
	s0 =	sand.u32 $0x3F000, s0  }
0x2a: {  	[sflag:s16] =	ssyncset.done $0x0;
	s0 =	sor.u32 s0, s2  }
0x2b: {  	[sflag:s16] =	ssyncadd.s32 $0xFFFFB400;
	s0 =	sor.u32 $0x400, s0  }
0x2c: {  	_ =	swait.ge [sflag:s17], $0x400;
	s31 =	sor.u32 s5, s0  }
0x2d: {  	[sflag:s17] =	ssyncset.done $0x0;
	s0 =	sor.u32 s6, s0;
	s2 =	sshrl.u32 s31, $0x3  }
0x2e: {  	[sflag:s17] =	ssyncadd.s32 $0xFFFFFC00;
	s0 =	sshrl.u32 s0, $0x3;
	s2 =	sadd.s32 s1, s2  }
0x2f: {  	[tilespmem:s18], [sflag:$0x2] =	stream.strided.gather [hbm4b:s2+s12], $0x4C00, s13, s12, $0x38;
	[tilespmem:$0x1D000] =	vst v63  }
0x30: {  	s0 =	sadd.s32 s3, s0  }
0x31: {  	[tilespmem:s19], [sflag:$0x4] =	stream.linear.gather [hbm4b:s0+s25], $0x400, $0x38;
	[tilespmem:$0x1D000] =	vst v63  }
0x32: {  	s0 =	simm.s32 $0x0  }
0x33: {  	s31 =	sand.u32 $0x70, s25;
	s2 =	sand.u32 $0xFFFFFF80, s0  }
0x34: {  	s29 =	sor.u32 s31, s2  }
0x35: {  	v4 =	vld [tilespmem:s29+$0x15C00]  }
0x36: {  	v5 =	vld [tilespmem:s29+$0x14800]  }
0x37: {  	v6 =	vld [tilespmem:s29+$0x13800]  }
0x38: {  	v7 =	vld [tilespmem:s29+$0x15800]  }
0x39: {  	v8 =	vld [tilespmem:s29+$0x14000]  }
0x3a: {  	v9 =	vld [tilespmem:s29+$0x15400]  }
0x3b: {  	v10 =	vld [tilespmem:s29+$0x13C00];
	v4 =	vmul.f32 $1.442695020e+00, v4  }
0x3c: {  	v11 =	vld [tilespmem:s29+$0x14C00];
	v5 =	vmul.f32 $1.442695020e+00, v5;
	v6 =	vmul.f32 $1.442695020e+00, v6  }
0x3d: {  	v7 =	vmul.f32 $1.442695020e+00, v7;
	(erf) = vpow2.f32 v4;
	v4 =	vld [tilespmem:s29+$0x13000]  }
0x3e: {  	(erf) = vpow2.f32 v5;
	v5 =	vmul.f32 $1.442695020e+00, v8;
	v8 =	vld [tilespmem:s29+$0x16000]  }
0x3f: {  	v9 =	vmul.f32 $1.442695020e+00, v9;
	(erf) = vpow2.f32 v6;
	v6 =	vld [tilespmem:s29+$0x13400]  }
0x40: {  	v10 =	vmul.f32 $1.442695020e+00, v10;
	(erf) = vpow2.f32 v7;
	v7 =	vld [tilespmem:s29+$0x14400]  }
0x41: {  	(erf) = vpow2.f32 v5;
	v5 =	vmul.f32 $1.442695020e+00, v11  }
0x42: {  	v11 =	vld [tilespmem:s29+$0x16400];
	(erf) = vpow2.f32 v9;
	v4 =	vmul.f32 $1.442695020e+00, v4  }
0x43: {  	v9 =	vld [tilespmem:s29+$0x15000];
	(erf) = vpow2.f32 v10;
	v8 =	vmul.f32 $1.442695020e+00, v8  }
0x44: {  	v10 =	vld [tilespmem:s29+$0x17000];
	(erf) = vpow2.f32 v5;
	v5 =	vmul.f32 $1.442695020e+00, v6  }
0x45: {  	(erf) = vpow2.f32 v4;
	v6 =	vmul.f32 $1.442695020e+00, v7  }
0x46: {  	v12 =	vld [tilespmem:s29+$0x17800];
	v4 =	vpop (erf);
	(erf) = vpow2.f32 v8  }
0x47: {  	v13 =	vld [tilespmem:s29+$0x16800];
	(erf) = vpow2.f32 v5;
	v7 =	vpop (erf)  }
0x48: {  	v8 =	vld [tilespmem:s29+$0x16C00];
	v11 =	vmul.f32 $1.442695020e+00, v11;
	v9 =	vmul.f32 $1.442695020e+00, v9;
	v20 =	vpop (erf)  }
0x49: {  	v5 =	vld [tilespmem:s29+$0x17400];
	(erf) = vpow2.f32 v6;
	v14 =	vmul.f32 $1.442695020e+00, v10;
	v6 =	vpop (erf)  }
0x4a: {  	(erf) = vpow2.f32 v11;
	v16 =	vpop (erf)  }
0x4b: {  	v11 =	vmul.f32 $1.442695020e+00, v12;
	(erf) = vpow2.f32 v9;
	v10 =	vpop (erf)  }
0x4c: {  	v9 =	vmul.f32 $1.442695020e+00, v13;
	(erf) = vpow2.f32 v14;
	v23 =	vpop (erf)  }
0x4d: {  	v8 =	vmul.f32 $1.442695020e+00, v8;
	(erf) = vpow2.f32 v11;
	v14 =	vpop (erf)  }
0x4e: {  	v18 =	vld [tilespmem:s29+$0x1C800];
	v5 =	vmul.f32 $1.442695020e+00, v5;
	(erf) = vpow2.f32 v9;
	v24 =	vpop (erf)  }
0x4f: {  	(erf) = vpow2.f32 v8;
	v11 =	vpop (erf)  }
0x50: {  	v13 =	vadd.f32 $0.0e+00, v23;
	v8 =	vadd.f32 $0.0e+00, v20;
	(erf) = vpow2.f32 v5;
	v25 =	vpop (erf)  }
0x51: {  	v5 =	vadd.f32 $0.0e+00, v24;
	v9 =	vadd.f32 $0.0e+00, v25  }
0x52: {  	v8 =	vadd.f32 v7, v8;
	v22 =	vpop (erf)  }
0x53: {  	v15 =	vshll.u32 v18, $0xA;
	v13 =	vadd.f32 v14, v13;
	v5 =	vadd.f32 v16, v5;
	v12 =	vpop (erf)  }
0x54: {  	v15 =	vadd.s32 s2, v15;
	v17 =	vadd.f32 v22, v9;
	v21 =	vpop (erf)  }
0x55: {  	v15 =	vor.u32 s31, v15;
	v13 =	vadd.f32 v4, v13;
	v5 =	vadd.f32 v21, v5;
	v9 =	vpop (erf)  }
0x56: {  	v26 =	vadd.f32 v6, v8;
	v17 =	vadd.f32 v10, v17;
	v8 =	vpop (erf)  }
0x57: {  	v27 =	vor.u32 v1, v15;
	v5 =	vadd.f32 v11, v5;
	v19 =	vpop (erf)  }
0x58: {  	v17 =	vadd.f32 v12, v17;
	v26 =	vadd.f32 v19, v26;
	v15 =	vpop (erf)  }
0x59: {  	v5 =	vadd.f32 v9, v5;
	v28 =	vadd.f32 v15, v13;
	v13 =	vpop (erf)  }
0x5a: {  	v17 =	vadd.f32 v13, v17;
	v26 =	vadd.f32 v8, v26;
	_ =	sdelay $0x1  }
0x5b: {  	v27 =	vld.idx.msk [tilespmem:v27+s14+$0x0], $0xffff;
	v5 =	vadd.f32 v17, v5;
	v17 =	vadd.f32 v26, v28;
	_ =	sdelay $0x1  }
0x5c: {  	v28 =	vadd.f32 v17, v5;
	_ =	sdelay $0x1  }
0x5d: {  	(erf) = vrcp.f32 v28  }
0x5e: {  	v5 =	vmul.f32 $1.442695020e+00, v27;
	_ =	sdelay $0x1  }
0x5f: {  	(erf) = vpow2.f32 v5;
	_ =	sdelay $0x5  }
0x60: {  	v5 =	vpop (erf)  }
0x61: {  	v17 =	vmul.f32 $2.040000000e+03, v5;
	_ =	sdelay $0x1  }
0x62: {  	v5 =	vshll.u32 v18, $0xB;
	v18 =	vpop (erf);
	v26 =	vmul.f32 v17, v24;
	v24 =	vmul.f32 v17, v25  }
0x63: {  	s30 =	simm.s32 $0x0;
	s29 =	simm.s32 $0x1;
	v25 =	vmul.f32 v17, v20;
	v23 =	vmul.f32 v17, v23;
	v20 =	vsub.f32 v28, v18  }
.LBB2_5:
0x64: {  	p0 =	sne.s32 s29, $0x3F  }
0x65: {  	v26 =	vadd.f32 $1.258291200e+07, v26;
	v16 =	vmul.f32 v17, v16;
	v22 =	vmul.f32 v17, v22;
	s30 =	sadd.s32 $0x10, s30;
	s0 =	smov.u32 s29;
	s29 =	sadd.s32 $0x1, s29  }
0x66: {  	v24 =	vadd.f32 $1.258496000e+07, v24;
	v7 =	vmul.f32 v17, v7;
	v25 =	vadd.f32 $1.258700800e+07, v25  }
0x67: {  	v23 =	vadd.f32 $1.258905600e+07, v23;
	v16 =	vadd.f32 $1.259110400e+07, v16;
	v26 =	vadd.s32 $0xB4C00000, v26  }
0x68: {  	v22 =	vadd.f32 $1.259315200e+07, v22;
	v7 =	vadd.f32 $1.259520000e+07, v7;
	v24 =	vadd.s32 $0xB4C00000, v24  }
0x69: {  	v14 =	vmul.f32 v17, v14;
	v21 =	vmul.f32 v17, v21;
	v25 =	vadd.s32 $0xB4C00000, v25  }
0x6a: {  	v10 =	vmul.f32 v17, v10;
	v6 =	vmul.f32 v17, v6;
	v23 =	vadd.s32 $0xB4C00000, v23  }
0x6b: {  	v14 =	vadd.f32 $1.259724800e+07, v14;
	v21 =	vadd.f32 $1.259929600e+07, v21;
	v16 =	vadd.s32 $0xB4C00000, v16  }
0x6c: {  	v10 =	vadd.f32 $1.260134400e+07, v10;
	v6 =	vadd.f32 $1.260339200e+07, v6;
	v22 =	vadd.s32 $0xB4C00000, v22;
	[tilespmem:v26+s4+$0x0] =	vst.idx.add.f32.msk $0xffff, v2  }
0x6d: {  	v4 =	vmul.f32 v17, v4;
	v11 =	vmul.f32 v17, v11;
	v7 =	vadd.s32 $0xB4C00000, v7;
	[tilespmem:v24+s4+$0x0] =	vst.idx.add.f32.msk $0xffff, v2  }
0x6e: {  	v12 =	vmul.f32 v17, v12;
	v19 =	vmul.f32 v17, v19;
	v14 =	vadd.s32 $0xB4C00000, v14;
	[tilespmem:v25+s4+$0x0] =	vst.idx.add.f32.msk $0xffff, v2  }
0x6f: {  	v4 =	vadd.f32 $1.260544000e+07, v4;
	v11 =	vadd.f32 $1.260748800e+07, v11;
	v21 =	vadd.s32 $0xB4C00000, v21;
	[tilespmem:v23+s4+$0x0] =	vst.idx.add.f32.msk $0xffff, v2  }
0x70: {  	s0 =	sshll.u32 s0, $0x4;
	v12 =	vadd.f32 $1.260953600e+07, v12;
	v19 =	vadd.f32 $1.261158400e+07, v19;
	v10 =	vadd.s32 $0xB4C00000, v10;
	[tilespmem:v16+s4+$0x0] =	vst.idx.add.f32.msk $0xffff, v2  }
0x71: {  	v15 =	vmul.f32 v17, v15;
	v9 =	vmul.f32 v17, v9;
	s31 =	sand.u32 $0x70, s30;
	s2 =	sand.u32 $0xFFFFFF80, s0;
	v6 =	vadd.s32 $0xB4C00000, v6;
	[tilespmem:v22+s4+$0x0] =	vst.idx.add.f32.msk $0xffff, v2  }
0x72: {  	v13 =	vmul.f32 v17, v13;
	v8 =	vmul.f32 v17, v8;
	s0 =	sor.u32 s31, s2;
	v4 =	vadd.s32 $0xB4C00000, v4;
	[tilespmem:v7+s4+$0x0] =	vst.idx.add.f32.msk $0xffff, v2  }
0x73: {  	v9 =	vadd.f32 $1.261568000e+07, v9;
	v11 =	vadd.s32 $0xB4C00000, v11;
	v7 =	vadd.f32 $1.261363200e+07, v15;
	[tilespmem:v14+s4+$0x0] =	vst.idx.add.f32.msk $0xffff, v2  }
0x74: {  	v13 =	vadd.f32 $1.261772800e+07, v13;
	v12 =	vadd.s32 $0xB4C00000, v12;
	v14 =	vmul.f32 v17, v20;
	[tilespmem:v21+s4+$0x0] =	vst.idx.add.f32.msk $0xffff, v2  }
0x75: {  	v8 =	vadd.f32 $1.261977600e+07, v8;
	v15 =	vmul.f32 v17, v18;
	[tilespmem:v10+s4+$0x0] =	vst.idx.add.f32.msk $0xffff, v2;
	v10 =	vadd.s32 $0xB4C00000, v19  }
0x76: {  	v14 =	vadd.f32 $1.258291200e+07, v14;
	[tilespmem:v6+s4+$0x0] =	vst.idx.add.f32.msk $0xffff, v2;
	v6 =	vadd.s32 $0xB4C00000, v7  }
0x77: {  	v5 =	vadd.s32 $0xB4C00000, v5;
	v7 =	vadd.f32 $1.258291200e+07, v15;
	[tilespmem:v4+s4+$0x0] =	vst.idx.add.f32.msk $0xffff, v2;
	v4 =	vadd.s32 $0xB4C00000, v9  }
0x78: {  	v9 =	vadd.s32 v14, v5;
	[tilespmem:v11+s4+$0x0] =	vst.idx.add.f32.msk $0xffff, v2;
	v11 =	vadd.s32 $0xB4C00000, v13  }
0x79: {  	v8 =	vadd.s32 $0xB4C00000, v8;
	v13 =	vand.u32 $0x7F, v14;
	[tilespmem:v12+s4+$0x0] =	vst.idx.add.f32.msk $0xffff, v2;
	v12 =	vand.u32 $0xFFFFFF80, v9  }
0x7a: {  	v5 =	vadd.s32 v7, v5;
	[tilespmem:v10+s4+$0x0] =	vst.idx.add.f32.msk $0xffff, v2;
	v7 =	vor.u32 v13, v12  }
0x7b: {  	[tilespmem:v6+s4+$0x0] =	vst.idx.add.f32.msk $0xffff, v2  }
0x7c: {  	[tilespmem:v4+s4+$0x0] =	vst.idx.add.f32.msk $0xffff, v2;
	v4 =	vadd.s32 $0x9800, v7  }
0x7d: {  	[tilespmem:v11+s4+$0x0] =	vst.idx.add.f32.msk $0xffff, v2  }
0x7e: {  	[tilespmem:v8+s4+$0x0] =	vst.idx.add.f32.msk $0xffff, v2  }
0x7f: {  	[tilespmem:v5+s4+$0x0] =	vst.idx.add.f32.msk $0xffff, v3  }
0x80: {  	[tilespmem:v9+s4+$0x0] =	vst.idx.add.f32.msk $0xffff, v2  }
0x81: {  	[tilespmem:v4+s4+$0x0] =	vst.idx.add.f32.msk $0xffff, v2  }
0x82: {  	v4 =	vld [tilespmem:s0+$0x14000]  }
0x83: {  	v5 =	vld [tilespmem:s0+$0x15C00]  }
0x84: {  	v6 =	vld [tilespmem:s0+$0x13000]  }
0x85: {  	v7 =	vld [tilespmem:s0+$0x13800]  }
0x86: {  	v8 =	vld [tilespmem:s0+$0x14800]  }
0x87: {  	v9 =	vld [tilespmem:s0+$0x15800]  }
0x88: {  	v10 =	vld [tilespmem:s0+$0x13400]  }
0x89: {  	v5 =	vmul.f32 $1.442695020e+00, v5;
	v11 =	vld [tilespmem:s0+$0x13C00]  }
0x8a: {  	v6 =	vmul.f32 $1.442695020e+00, v6;
	v7 =	vmul.f32 $1.442695020e+00, v7;
	v12 =	vld [tilespmem:s0+$0x15400]  }
0x8b: {  	v4 =	vmul.f32 $1.442695020e+00, v4;
	v8 =	vmul.f32 $1.442695020e+00, v8;
	v13 =	vld [tilespmem:s0+$0x14C00]  }
0x8c: {  	v14 =	vld [tilespmem:s0+$0x14400];
	v9 =	vmul.f32 $1.442695020e+00, v9;
	(erf) = vpow2.f32 v5  }
0x8d: {  	v5 =	vmul.f32 $1.442695020e+00, v10;
	v10 =	vld [tilespmem:s0+$0x16000];
	(erf) = vpow2.f32 v8  }
0x8e: {  	v8 =	vmul.f32 $1.442695020e+00, v11;
	v11 =	vld [tilespmem:s0+$0x15000];
	(erf) = vpow2.f32 v7  }
0x8f: {  	v7 =	vmul.f32 $1.442695020e+00, v12;
	v12 =	vld [tilespmem:s0+$0x17400];
	(erf) = vpow2.f32 v9  }
0x90: {  	v9 =	vmul.f32 $1.442695020e+00, v13;
	v13 =	vld [tilespmem:s0+$0x17800];
	(erf) = vpow2.f32 v4  }
0x91: {  	v14 =	vmul.f32 $1.442695020e+00, v14;
	v15 =	vld [tilespmem:s0+$0x16400];
	(erf) = vpow2.f32 v7  }
0x92: {  	v7 =	vmul.f32 $1.442695020e+00, v10;
	v10 =	vld [tilespmem:s0+$0x16C00];
	(erf) = vpow2.f32 v8  }
0x93: {  	v8 =	vmul.f32 $1.442695020e+00, v11;
	v11 =	vld [tilespmem:s0+$0x17000];
	(erf) = vpow2.f32 v9  }
0x94: {  	v9 =	vmul.f32 $1.442695020e+00, v12;
	(erf) = vpow2.f32 v6  }
0x95: {  	v12 =	vld [tilespmem:s0+$0x16800];
	v13 =	vmul.f32 $1.442695020e+00, v13;
	v4 =	vpop (erf);
	(erf) = vpow2.f32 v7  }
0x96: {  	v15 =	vmul.f32 $1.442695020e+00, v15;
	(erf) = vpow2.f32 v5;
	v7 =	vpop (erf)  }
0x97: {  	v5 =	vmul.f32 $1.442695020e+00, v10;
	v20 =	vpop (erf);
	(erf) = vpow2.f32 v14  }
0x98: {  	v14 =	vadd.f32 $0.0e+00, v20;
	v11 =	vmul.f32 $1.442695020e+00, v11;
	v6 =	vpop (erf);
	(erf) = vpow2.f32 v15  }
0x99: {  	v16 =	vpop (erf);
	(erf) = vpow2.f32 v8  }
0x9a: {  	v8 =	vadd.f32 v7, v14;
	v12 =	vmul.f32 $1.442695020e+00, v12;
	v10 =	vpop (erf);
	(erf) = vpow2.f32 v11  }
0x9b: {  	v23 =	vpop (erf);
	(erf) = vpow2.f32 v13  }
0x9c: {  	v13 =	vld [tilespmem:s0+$0x1C800];
	v17 =	vadd.f32 $0.0e+00, v23;
	v15 =	vadd.f32 v6, v8;
	v14 =	vpop (erf);
	(erf) = vpow2.f32 v12  }
0x9d: {  	v18 =	vpop (erf);
	(erf) = vpow2.f32 v5  }
0x9e: {  	v5 =	vadd.f32 $0.0e+00, v18;
	v8 =	vadd.f32 v14, v17;
	v11 =	vpop (erf);
	(erf) = vpow2.f32 v9  }
0x9f: {  	v24 =	vpop (erf)  }
0xa0: {  	v19 =	vadd.f32 $0.0e+00, v24;
	v17 =	vadd.f32 v16, v5;
	v22 =	vpop (erf)  }
0xa1: {  	v25 =	vadd.f32 v4, v8;
	v8 =	vshll.u32 v13, $0xA;
	v5 =	vshll.u32 v13, $0xB;
	v12 =	vpop (erf)  }
0xa2: {  	v13 =	vadd.f32 v22, v19;
	v27 =	vadd.s32 s2, v8;
	v21 =	vpop (erf)  }
0xa3: {  	v17 =	vadd.f32 v21, v17;
	v27 =	vor.u32 s31, v27;
	v9 =	vpop (erf)  }
0xa4: {  	v29 =	vadd.f32 v10, v13;
	v26 =	vor.u32 v1, v27;
	v8 =	vpop (erf)  }
0xa5: {  	v17 =	vadd.f32 v11, v17;
	v19 =	vpop (erf)  }
0xa6: {  	v27 =	vadd.f32 v12, v29;
	v28 =	vadd.f32 v19, v15;
	v15 =	vpop (erf)  }
0xa7: {  	v25 =	vadd.f32 v15, v25;
	v17 =	vadd.f32 v9, v17;
	v13 =	vpop (erf)  }
0xa8: {  	v27 =	vadd.f32 v13, v27;
	v28 =	vadd.f32 v8, v28  }
0xa9: {  	v26 =	vld.idx.msk [tilespmem:v26+s14+$0x0], $0xffff  }
0xaa: {  	v17 =	vadd.f32 v27, v17;
	v25 =	vadd.f32 v28, v25;
	_ =	sdelay $0x1  }
0xab: {  	v27 =	vadd.f32 v25, v17;
	_ =	sdelay $0x1  }
0xac: {  	(erf) = vrcp.f32 v27  }
0xad: {  	v17 =	vmul.f32 $1.442695020e+00, v26;
	_ =	sdelay $0x1  }
0xae: {  	(erf) = vpow2.f32 v17;
	_ =	sdelay $0x5  }
.Ltmp1:
0xaf: {  	v17 =	vpop (erf);
	(pc) =	sbr.rel @p0 .LBB2_5-.Ltmp1, $3  }
0xb0: {  	v17 =	vmul.f32 $2.040000000e+03, v17;
	_ =	sdelay $0x1  }
0xb1: {  	v26 =	vmul.f32 v17, v18;
	v24 =	vmul.f32 v17, v24;
	v18 =	vpop (erf)  }
0xb2: {  	v25 =	vmul.f32 v17, v20;
	v23 =	vmul.f32 v17, v23;
	v20 =	vsub.f32 v27, v18  }
0xb3: {  	v26 =	vadd.f32 $1.258291200e+07, v26  }
0xb4: {  	v16 =	vmul.f32 v17, v16;
	v24 =	vadd.f32 $1.258496000e+07, v24  }
0xb5: {  	v22 =	vmul.f32 v17, v22;
	v25 =	vadd.f32 $1.258700800e+07, v25;
	v26 =	vadd.s32 $0xB4C00000, v26  }
0xb6: {  	v7 =	vmul.f32 v17, v7;
	v23 =	vadd.f32 $1.258905600e+07, v23;
	v24 =	vadd.s32 $0xB4C00000, v24  }
0xb7: {  	v14 =	vmul.f32 v17, v14;
	v16 =	vadd.f32 $1.259110400e+07, v16;
	v25 =	vadd.s32 $0xB4C00000, v25  }
0xb8: {  	v21 =	vmul.f32 v17, v21;
	v22 =	vadd.f32 $1.259315200e+07, v22;
	v23 =	vadd.s32 $0xB4C00000, v23  }
0xb9: {  	v10 =	vmul.f32 v17, v10;
	v7 =	vadd.f32 $1.259520000e+07, v7;
	v16 =	vadd.s32 $0xB4C00000, v16  }
0xba: {  	v6 =	vmul.f32 v17, v6;
	v14 =	vadd.f32 $1.259724800e+07, v14;
	v22 =	vadd.s32 $0xB4C00000, v22;
	[tilespmem:v26+s4+$0x0] =	vst.idx.add.f32.msk $0xffff, v2  }
0xbb: {  	v4 =	vmul.f32 v17, v4;
	v21 =	vadd.f32 $1.259929600e+07, v21;
	v7 =	vadd.s32 $0xB4C00000, v7;
	[tilespmem:v24+s4+$0x0] =	vst.idx.add.f32.msk $0xffff, v2  }
0xbc: {  	v11 =	vmul.f32 v17, v11;
	v10 =	vadd.f32 $1.260134400e+07, v10;
	v14 =	vadd.s32 $0xB4C00000, v14;
	[tilespmem:v25+s4+$0x0] =	vst.idx.add.f32.msk $0xffff, v2  }
0xbd: {  	v12 =	vmul.f32 v17, v12;
	v6 =	vadd.f32 $1.260339200e+07, v6;
	v21 =	vadd.s32 $0xB4C00000, v21;
	[tilespmem:v23+s4+$0x0] =	vst.idx.add.f32.msk $0xffff, v2  }
0xbe: {  	v19 =	vmul.f32 v17, v19;
	v4 =	vadd.f32 $1.260544000e+07, v4;
	v10 =	vadd.s32 $0xB4C00000, v10;
	[tilespmem:v16+s4+$0x0] =	vst.idx.add.f32.msk $0xffff, v2  }
0xbf: {  	v15 =	vmul.f32 v17, v15;
	v11 =	vadd.f32 $1.260748800e+07, v11;
	v6 =	vadd.s32 $0xB4C00000, v6;
	[tilespmem:v22+s4+$0x0] =	vst.idx.add.f32.msk $0xffff, v2  }
0xc0: {  	v52 =	vmul.f32 v17, v9;
	v12 =	vadd.f32 $1.260953600e+07, v12;
	v4 =	vadd.s32 $0xB4C00000, v4;
	[tilespmem:v7+s4+$0x0] =	vst.idx.add.f32.msk $0xffff, v2  }
0xc1: {  	v53 =	vmul.f32 v17, v13;
	v51 =	vadd.f32 $1.261158400e+07, v19;
	v11 =	vadd.s32 $0xB4C00000, v11;
	[tilespmem:v14+s4+$0x0] =	vst.idx.add.f32.msk $0xffff, v2  }
0xc2: {  	v8 =	vmul.f32 v17, v8;
	v54 =	vadd.f32 $1.261363200e+07, v15;
	v12 =	vadd.s32 $0xB4C00000, v12;
	[tilespmem:v21+s4+$0x0] =	vst.idx.add.f32.msk $0xffff, v2  }
0xc3: {  	v55 =	vmul.f32 v17, v20;
	v56 =	vadd.s32 $0xB4C00000, v51;
	v7 =	vadd.f32 $1.261568000e+07, v52;
	[tilespmem:v10+s4+$0x0] =	vst.idx.add.f32.msk $0xffff, v2  }
0xc4: {  	v57 =	vmul.f32 v17, v18;
	v9 =	vadd.f32 $1.261772800e+07, v53;
	v58 =	vadd.s32 $0xB4C00000, v54;
	[tilespmem:v6+s4+$0x0] =	vst.idx.add.f32.msk $0xffff, v2  }
0xc5: {  	v8 =	vadd.f32 $1.261977600e+07, v8;
	v59 =	vadd.f32 $1.258291200e+07, v55;
	[tilespmem:v4+s4+$0x0] =	vst.idx.add.f32.msk $0xffff, v2;
	v4 =	vadd.s32 $0xB4C00000, v7  }
0xc6: {  	v5 =	vadd.s32 $0xB4C00000, v5;
	v60 =	vadd.f32 $1.258291200e+07, v57;
	v9 =	vadd.s32 $0xB4C00000, v9;
	[tilespmem:v11+s4+$0x0] =	vst.idx.add.f32.msk $0xffff, v2  }
0xc7: {  	v8 =	vadd.s32 $0xB4C00000, v8;
	v61 =	vadd.s32 v59, v5;
	[tilespmem:v12+s4+$0x0] =	vst.idx.add.f32.msk $0xffff, v2  }
0xc8: {  	v13 =	vand.u32 $0x7F, v59;
	v5 =	vadd.s32 v60, v5;
	v62 =	vand.u32 $0xFFFFFF80, v61;
	[tilespmem:v56+s4+$0x0] =	vst.idx.add.f32.msk $0xffff, v2  }
0xc9: {  	v63 =	vor.u32 v13, v62;
	[tilespmem:v58+s4+$0x0] =	vst.idx.add.f32.msk $0xffff, v2  }
0xca: {  	[tilespmem:v4+s4+$0x0] =	vst.idx.add.f32.msk $0xffff, v2;
	v4 =	vadd.s32 $0x9800, v63  }
0xcb: {  	[tilespmem:v9+s4+$0x0] =	vst.idx.add.f32.msk $0xffff, v2  }
0xcc: {  	[tilespmem:v8+s4+$0x0] =	vst.idx.add.f32.msk $0xffff, v2  }
0xcd: {  	p0 =	seq.s32 s26, $0xF;
	[tilespmem:v5+s4+$0x0] =	vst.idx.add.f32.msk $0xffff, v3  }
0xce: {  	s0 =	sadd.s32 @!p0 $0x2, s28;
	[tilespmem:v61+s4+$0x0] =	vst.idx.add.f32.msk $0xffff, v2  }
0xcf: {  	s29 =	simm.s32 @!p0 $0x400;
	s30 =	simm.s32 @!p0 $0x40000;
	s2 =	sadd.s32 @!p0 s7, s0;
	[tilespmem:v4+s4+$0x0] =	vst.idx.add.f32.msk $0xffff, v2  }
0xd0: {  	s31 =	simm.s32 @!p0 $0x13000;
	s2 =	sshll.u32 @!p0 s2, $0xA;
	_ =	swait.ge [sflag:s20], $0x4C00  }
0xd1: {  	s0 =	sshll.u32 @!p0 s0, $0xA;
	s2 =	sand.u32 @!p0 $0x7F000, s2;
	[sflag:s20] =	ssyncset.done $0x0  }
0xd2: {  	s0 =	sand.u32 @!p0 $0x800, s0;
	s28 =	sadd.s32 @!p0 s5, s2;
	[sflag:s20] =	ssyncadd.s32 $0xFFFFB400  }
0xd3: {  	s2 =	sadd.s32 @!p0 s6, s2;
	s28 =	sor.u32 @!p0 s0, s28;
	_ =	swait.ge [sflag:s21], $0x400  }
0xd4: {  	s0 =	sor.u32 @!p0 s0, s2;
	s28 =	sshrl.u32 @!p0 s28, $0x3;
	[sflag:s21] =	ssyncset.done $0x0  }
0xd5: {  	s0 =	sshrl.u32 @!p0 s0, $0x3;
	s28 =	sadd.s32 @!p0 s1, s28;
	[sflag:s21] =	ssyncadd.s32 $0xFFFFFC00  }
0xd6: {  	[tilespmem:s31], [sflag:$0x1] =	stream.strided.gather @!p0 [hbm4b:s28+s29], $0x4C00, s30, s29, $0x38;
	[tilespmem:$0x1D000] =	vst v63  }
0xd7: {  	s2 =	simm.s32 @!p0 $0x0;
	s0 =	sadd.s32 @!p0 s3, s0;
	s28 =	simm.s32 @!p0 $0x1C800  }
0xd8: {  	[tilespmem:s28], [sflag:$0x3] =	stream.linear.gather @!p0 [hbm4b:s0+s2], $0x400, $0x38;
	[tilespmem:$0x1D000] =	vst v63  }
0xd9: {  	s29 =	simm.s32 $0x0;
	s28 =	simm.s32 $0x0  }
.LBB2_7:
0xda: {  	s2 =	sshll.u32 s29, $0x4  }
0xdb: {  	s0 =	sand.u32 $0x70, s28;
	s2 =	sand.u32 $0xFFFFFF80, s2  }
0xdc: {  	s30 =	sor.u32 s0, s2  }
0xdd: {  	v4 =	vld [tilespmem:s30+$0x17C00]  }
0xde: {  	v5 =	vld [tilespmem:s30+$0x18000]  }
0xdf: {  	v6 =	vld [tilespmem:s30+$0x18400]  }
0xe0: {  	v7 =	vld [tilespmem:s30+$0x18800]  }
0xe1: {  	v8 =	vld [tilespmem:s30+$0x18C00]  }
0xe2: {  	v9 =	vld [tilespmem:s30+$0x19000];
	v4 =	vmul.f32 $1.442695020e+00, v4  }
0xe3: {  	v10 =	vld [tilespmem:s30+$0x19400];
	v5 =	vmul.f32 $1.442695020e+00, v5  }
0xe4: {  	v51 =	vld [tilespmem:s30+$0x19800];
	(erf) = vpow2.f32 v4;
	v4 =	vmul.f32 $1.442695020e+00, v6  }
0xe5: {  	v52 =	vld [tilespmem:s30+$0x19C00];
	(erf) = vpow2.f32 v5;
	v5 =	vmul.f32 $1.442695020e+00, v7  }
0xe6: {  	v53 =	vld [tilespmem:s30+$0x1A000];
	(erf) = vpow2.f32 v4;
	v4 =	vmul.f32 $1.442695020e+00, v8  }
0xe7: {  	v54 =	vld [tilespmem:s30+$0x1A400];
	(erf) = vpow2.f32 v5;
	v5 =	vmul.f32 $1.442695020e+00, v9  }
0xe8: {  	v55 =	vld [tilespmem:s30+$0x1A800];
	(erf) = vpow2.f32 v4;
	v4 =	vmul.f32 $1.442695020e+00, v10  }
0xe9: {  	v56 =	vld [tilespmem:s30+$0x1AC00];
	(erf) = vpow2.f32 v5;
	v5 =	vmul.f32 $1.442695020e+00, v51  }
0xea: {  	v57 =	vld [tilespmem:s30+$0x1B000];
	(erf) = vpow2.f32 v4;
	v4 =	vmul.f32 $1.442695020e+00, v52  }
0xeb: {  	v58 =	vld [tilespmem:s30+$0x1B400];
	(erf) = vpow2.f32 v5;
	v5 =	vmul.f32 $1.442695020e+00, v53  }
0xec: {  	v59 =	vld [tilespmem:s30+$0x1B800];
	(erf) = vpow2.f32 v4;
	v4 =	vmul.f32 $1.442695020e+00, v54  }
0xed: {  	v60 =	vld [tilespmem:s30+$0x1BC00];
	v11 =	vpop (erf);
	(erf) = vpow2.f32 v5;
	v5 =	vmul.f32 $1.442695020e+00, v55  }
0xee: {  	v61 =	vld [tilespmem:s30+$0x1C000];
	v12 =	vpop (erf);
	(erf) = vpow2.f32 v4;
	v4 =	vmul.f32 $1.442695020e+00, v56  }
0xef: {  	v62 =	vld [tilespmem:s30+$0x1C400];
	v13 =	vpop (erf);
	(erf) = vpow2.f32 v5;
	v5 =	vmul.f32 $1.442695020e+00, v57  }
0xf0: {  	v14 =	vpop (erf);
	(erf) = vpow2.f32 v4;
	v4 =	vmul.f32 $1.442695020e+00, v58  }
0xf1: {  	v63 =	vpop (erf);
	(erf) = vpow2.f32 v5;
	v5 =	vmul.f32 $1.442695020e+00, v59  }
0xf2: {  	v32 =	vpop (erf);
	(erf) = vpow2.f32 v4;
	v4 =	vmul.f32 $1.442695020e+00, v60  }
0xf3: {  	v33 =	vpop (erf);
	(erf) = vpow2.f32 v5;
	v5 =	vmul.f32 $1.442695020e+00, v61  }
0xf4: {  	v34 =	vpop (erf);
	(erf) = vpow2.f32 v4;
	v4 =	vmul.f32 $1.442695020e+00, v62;
	_ =	sdelay $0x1  }
0xf5: {  	v35 =	vpop (erf);
	(erf) = vpow2.f32 v5  }
0xf6: {  	v5 =	vpop (erf);
	(erf) = vpow2.f32 v4  }
0xf7: {  	v15 =	vadd.f32 $0.0e+00, v11;
	v4 =	vpop (erf)  }
0xf8: {  	v17 =	vadd.f32 $0.0e+00, v12;
	v18 =	vadd.f32 $0.0e+00, v13;
	v16 =	vpop (erf)  }
0xf9: {  	v20 =	vadd.f32 $0.0e+00, v14;
	v15 =	vadd.f32 v63, v15;
	v19 =	vpop (erf)  }
0xfa: {  	v17 =	vadd.f32 v32, v17;
	v18 =	vadd.f32 v33, v18;
	v21 =	vpop (erf)  }
0xfb: {  	v20 =	vadd.f32 v34, v20;
	v15 =	vadd.f32 v35, v15;
	v22 =	vpop (erf)  }
0xfc: {  	v17 =	vadd.f32 v5, v17;
	v18 =	vadd.f32 v4, v18;
	v23 =	vpop (erf)  }
0xfd: {  	v20 =	vadd.f32 v16, v20;
	v15 =	vadd.f32 v19, v15;
	v24 =	vpop (erf)  }
0xfe: {  	v17 =	vadd.f32 v21, v17;
	v18 =	vadd.f32 v22, v18;
	v25 =	vpop (erf)  }
0xff: {  	v20 =	vadd.f32 v23, v20;
	v15 =	vadd.f32 v24, v15;
	v27 =	vpop (erf)  }
0x100: {  	v26 =	vld [tilespmem:s30+$0x1CC00];
	v17 =	vadd.f32 v25, v17;
	v18 =	vadd.f32 v27, v18;
	_ =	sdelay $0x1  }
0x101: {  	v28 =	vmov s2;
	v15 =	vadd.f32 v17, v15;
	v36 =	vadd.f32 v18, v20  }
0x102: {  	v37 =	vadd.s32 $0x4C00, v28  }
0x103: {  	v18 =	vbroadcast v37, $0x0;
	v15 =	vadd.f32 v36, v15  }
0x104: {  	v38 =	vshll.u32 v26, $0xA  }
0x105: {  	v17 =	vadd.s32 v18, v38;
	(erf) = vrcp.f32 v15  }
0x106: {  	v17 =	vor.u32 s0, v17  }
0x107: {  	v17 =	vor.u32 v1, v17;
	_ =	sdelay $0x4  }
0x108: {  	v17 =	vld.idx.msk [tilespmem:v17+s14+$0x0], $0xffff;
	_ =	sdelay $0x1  }
0x109: {  	v39 =	vpop (erf)  }
0x10a: {  	v18 =	vmul.f32 $2.040000000e+03, v39;
	_ =	sdelay $0x1  }
0x10b: {  	v17 =	vmul.f32 $1.442695020e+00, v17;
	v11 =	vmul.f32 v18, v11  }
0x10c: {  	v58 =	vshll.u32 v26, $0xB;
	v12 =	vmul.f32 v18, v12;
	v13 =	vmul.f32 v18, v13  }
0x10d: {  	v14 =	vmul.f32 v18, v14;
	(erf) = vpow2.f32 v17;
	v11 =	vadd.f32 $1.258291200e+07, v11  }
0x10e: {  	v8 =	vmul.f32 v18, v63;
	v9 =	vmul.f32 v18, v32;
	v12 =	vadd.f32 $1.258496000e+07, v12  }
0x10f: {  	v10 =	vmul.f32 v18, v33;
	v13 =	vadd.f32 $1.258700800e+07, v13;
	v11 =	vadd.s32 $0xB4C00000, v11  }
0x110: {  	v6 =	vmul.f32 v18, v34;
	v14 =	vadd.f32 $1.258905600e+07, v14;
	v12 =	vadd.s32 $0xB4C00000, v12  }
0x111: {  	v7 =	vmul.f32 v18, v35;
	v8 =	vadd.f32 $1.259110400e+07, v8;
	v13 =	vadd.s32 $0xB4C00000, v13  }
0x112: {  	v5 =	vmul.f32 v18, v5;
	v9 =	vadd.f32 $1.259315200e+07, v9;
	v14 =	vadd.s32 $0xB4C00000, v14  }
0x113: {  	v4 =	vmul.f32 v18, v4;
	v10 =	vadd.f32 $1.259520000e+07, v10;
	v8 =	vadd.s32 $0xB4C00000, v8  }
0x114: {  	v16 =	vmul.f32 v18, v16;
	v6 =	vadd.f32 $1.259724800e+07, v6;
	v9 =	vadd.s32 $0xB4C00000, v9;
	[tilespmem:v11+s4+$0x0] =	vst.idx.add.f32.msk $0xffff, v2  }
0x115: {  	v41 =	vmul.f32 v18, v19;
	v7 =	vadd.f32 $1.259929600e+07, v7;
	v10 =	vadd.s32 $0xB4C00000, v10;
	[tilespmem:v12+s4+$0x0] =	vst.idx.add.f32.msk $0xffff, v2  }
0x116: {  	v42 =	vmul.f32 v18, v21;
	v5 =	vadd.f32 $1.260134400e+07, v5;
	v6 =	vadd.s32 $0xB4C00000, v6;
	[tilespmem:v13+s4+$0x0] =	vst.idx.add.f32.msk $0xffff, v2  }
0x117: {  	v43 =	vmul.f32 v18, v22;
	v4 =	vadd.f32 $1.260339200e+07, v4;
	v7 =	vadd.s32 $0xB4C00000, v7;
	[tilespmem:v14+s4+$0x0] =	vst.idx.add.f32.msk $0xffff, v2  }
0x118: {  	v44 =	vmul.f32 v18, v23;
	v40 =	vadd.f32 $1.260544000e+07, v16;
	v5 =	vadd.s32 $0xB4C00000, v5;
	[tilespmem:v8+s4+$0x0] =	vst.idx.add.f32.msk $0xffff, v2  }
0x119: {  	v48 =	vmul.f32 v18, v24;
	v4 =	vadd.s32 $0xB4C00000, v4;
	v12 =	vadd.f32 $1.260748800e+07, v41;
	[tilespmem:v9+s4+$0x0] =	vst.idx.add.f32.msk $0xffff, v2  }
0x11a: {  	v50 =	vmul.f32 v18, v25;
	v45 =	vadd.f32 $1.260953600e+07, v42;
	v49 =	vadd.s32 $0xB4C00000, v40;
	v47 =	vpop (erf);
	[tilespmem:v10+s4+$0x0] =	vst.idx.add.f32.msk $0xffff, v2  }
0x11b: {  	v46 =	vadd.f32 $1.261158400e+07, v43;
	v15 =	vsub.f32 v15, v47;
	v51 =	vadd.s32 $0xB4C00000, v12;
	[tilespmem:v6+s4+$0x0] =	vst.idx.add.f32.msk $0xffff, v2  }
0x11c: {  	v53 =	vmul.f32 v18, v27;
	v54 =	vadd.s32 $0xB4C00000, v45;
	v14 =	vadd.f32 $1.261363200e+07, v44;
	[tilespmem:v7+s4+$0x0] =	vst.idx.add.f32.msk $0xffff, v2  }
0x11d: {  	v52 =	vadd.f32 $1.261568000e+07, v48;
	v56 =	vmul.f32 v18, v15;
	[tilespmem:v5+s4+$0x0] =	vst.idx.add.f32.msk $0xffff, v2;
	v5 =	vadd.s32 $0xB4C00000, v46  }
0x11e: {  	v55 =	vadd.f32 $1.261772800e+07, v50;
	v9 =	vmul.f32 v18, v47;
	[tilespmem:v4+s4+$0x0] =	vst.idx.add.f32.msk $0xffff, v2;
	v4 =	vadd.s32 $0xB4C00000, v14  }
0x11f: {  	v57 =	vadd.f32 $1.261977600e+07, v53;
	v59 =	vadd.s32 $0xB4C00000, v52;
	v11 =	vadd.f32 $1.258291200e+07, v56;
	[tilespmem:v49+s4+$0x0] =	vst.idx.add.f32.msk $0xffff, v2  }
0x120: {  	v60 =	vadd.s32 $0xB4C00000, v58;
	v61 =	vadd.s32 $0xB4C00000, v55;
	v9 =	vadd.f32 $1.258291200e+07, v9;
	[tilespmem:v51+s4+$0x0] =	vst.idx.add.f32.msk $0xffff, v2  }
0x121: {  	v63 =	vadd.s32 $0xB4C00000, v57;
	v62 =	vadd.s32 v11, v60;
	[tilespmem:v54+s4+$0x0] =	vst.idx.add.f32.msk $0xffff, v2  }
0x122: {  	v11 =	vand.u32 $0x7F, v11;
	v9 =	vadd.s32 v9, v60;
	[tilespmem:v5+s4+$0x0] =	vst.idx.add.f32.msk $0xffff, v2;
	v5 =	vand.u32 $0xFFFFFF80, v62  }
0x123: {  	[tilespmem:v4+s4+$0x0] =	vst.idx.add.f32.msk $0xffff, v2;
	v4 =	vor.u32 v11, v5  }
0x124: {  	p0 =	sne.s32 s29, $0x3F;
	[tilespmem:v59+s4+$0x0] =	vst.idx.add.f32.msk $0xffff, v2;
	v4 =	vadd.s32 $0x9800, v4  }
.Ltmp2:
0x125: {  	[tilespmem:v61+s4+$0x0] =	vst.idx.add.f32.msk $0xffff, v2;
	(pc) =	sbr.rel @p0 .LBB2_7-.Ltmp2, $4  }
0x126: {  	[tilespmem:v63+s4+$0x0] =	vst.idx.add.f32.msk $0xffff, v2  }
0x127: {  	[tilespmem:v9+s4+$0x0] =	vst.idx.add.f32.msk $0xffff, v3  }
0x128: {  	[tilespmem:v62+s4+$0x0] =	vst.idx.add.f32.msk $0xffff, v2  }
0x129: {  	s28 =	sadd.s32 $0x10, s28;
	s29 =	sadd.s32 $0x1, s29;
	[tilespmem:v4+s4+$0x0] =	vst.idx.add.f32.msk $0xffff, v2  }
0x12a: {  	s26 =	sadd.s32 $0x1, s26  }
0x12b: {  	p0 =	sne.s32 s26, $0x10  }
.Ltmp3:
0x12c: {  	_ = 	snop;
	(pc) =	sbr.rel @p0 .LBB2_4-.Ltmp3, $1  }
0x12d: {  	_ =	sdelay $0x3  }
0x12e: {  	s24 =	sadd.s32 $0x1, s24  }
0x12f: {  	p0 =	sne.s32 s24, s11  }
.Ltmp4:
0x130: {  	_ = 	snop;
	(pc) =	sbr.rel @p0 .LBB2_1-.Ltmp4, $4  }
0x131: {  	[hbm4b:s10+s22] =	stream.strided.scatter [tilespmem:s4], [sflag:$0x5], $0x13000, s12, s22, $0x38;
	[tilespmem:$0x1D000] =	vst v63  }
0x132: {  	_ =	swait.ge [sflag:s23], $0x13000  }
0x133: {  	[sflag:s23] =	ssyncset.done $0x0  }
0x134: {  	[sflag:s23] =	ssyncadd.s32 $0xFFFED000  }
0x135: {  	_ =	sfence.sel $0x180000  }
0x136: {  	[bflag:$0x0] =	sbarrier.arrive $0xFFFF  }
0x137: {  	_ =	strace $0x90000047  }
0x138: {  	s0 =	stileid.u32;
	[bflag:$0x2] =	sbarrier.arrive $0xFFFF  }
0x139: {  	p0 =	sne.s32 s0, $0x0;
	s0 =	rddreg [dreg:$0x3]  }
0x13a: {  	s0 =	sadd.s32 @!p0 $0x100000, s0  }
0x13b: {  	[sflag:s0] =	ssyncadd.tile.s32 @!p0 $0x1;
	_ =	shalt  }
.Lfunc_end2:
_tile_overlayer_lowered:
.L_overlay_start_2:
0x13c: {  	(tag) =	ssettag $0x2  }
0x13d: {  	s0 =	rddreg [dreg:$0x0];
	s2 =	stileid.u32  }
0x13e: {  	s1 =	rddreg [dreg:$0x1];
	p0 =	sne.s32 s2, $0x0  }
0x13f: {  	s3 =	rddreg [dreg:$0x2];
	[bflag:$0x3] =	sbarrier.arrive $0xFFFF;
	s2 =	simm.s32 @!p0 $0x1C05  }
0x140: {  	[timem:s3], [sflag:s2] =	dma.local @!p0 [hbm:s0], s1  }
0x141: {  	s0 =	simm.s32 @!p0 $0x5  }
0x142: {  	_ =	swait.ge @!p0 [sflag:s0], s1  }
0x143: {  	s1 =	ssub.s32 @!p0 $0x0, s1;
	[sflag:s0] =	ssyncset.done @!p0 $0x0  }
0x144: {  	[sflag:s0] =	ssyncadd.s32 @!p0 s1  }
0x145: {  	[bflag:$0x3] =	sbarrier.arrive $0xFFFF  }
0x146: {  	_ =	shalt  }

</sc_bundles>
